<compile_context>
chip_gen: v7x
topology: tpu7x:2x2x1
jax: 0.10.2.dev20260603
libtpu: 0.0.44.dev20260713+nightly
codegen_flags: <defaults>
</compile_context>

<pallas_src>
import functools

import jax
import jax.numpy as jnp
from jax import lax
from jax.experimental import pallas as pl
from jax.experimental.pallas import tpu as pltpu
from jax.experimental.pallas import tpu_sc as plsc

N_CODES = 8192
D = 256
LB = 512
KB = 4096

NC, NS, NL = 2, 16, 16
NW = NC * NS
CH = 128


def _argmin_body(zf_ref, emb_ref, rs_ref, cs_ref, idx_ref, bestv_ref, besti_ref):
    k = pl.program_id(0)
    l = pl.program_id(1)
    zb = zf_ref[...]
    eb = emb_ref[...]
    mm = lax.dot_general(zb.astype(jnp.bfloat16), eb.astype(jnp.bfloat16),
                         (((1,), (1,)), ((), ())),
                         preferred_element_type=jnp.float32)
    rs = rs_ref[...]
    cs = cs_ref[...]
    d = (rs + cs) - 2.0 * mm
    bmin = jnp.min(d, axis=1, keepdims=True)
    kidx = lax.broadcasted_iota(jnp.int32, (LB, KB), 1) + k * KB
    bidx = jnp.min(jnp.where(d == bmin, kidx, jnp.int32(2**30)),
                   axis=1, keepdims=True)

    lsl = pl.ds(l * LB, LB)

    @pl.when(k == 0)
    def _():
        bestv_ref[lsl, :] = bmin
        besti_ref[lsl, :] = bidx

    @pl.when(k > 0)
    def _():
        prevv = bestv_ref[lsl, :]
        previ = besti_ref[lsl, :]
        upd = bmin < prevv
        bestv_ref[lsl, :] = jnp.where(upd, bmin, prevv)
        besti_ref[lsl, :] = jnp.where(upd, bidx, previ)

    idx_ref[...] = besti_ref[lsl, :]


def _tc_argmin(zf, embedding, rs, cs):
    L = zf.shape[0]
    nk = N_CODES // KB
    nl = L // LB
    idx2d = pl.pallas_call(
        _argmin_body,
        grid=(nk, nl),
        in_specs=[
            pl.BlockSpec((LB, D), lambda k, l: (l, 0)),
            pl.BlockSpec((KB, D), lambda k, l: (k, 0)),
            pl.BlockSpec((LB, 1), lambda k, l: (l, 0)),
            pl.BlockSpec((1, KB), lambda k, l: (0, k)),
        ],
        out_specs=pl.BlockSpec((LB, 1), lambda k, l: (l, 0)),
        out_shape=jax.ShapeDtypeStruct((L, 1), jnp.int32),
        scratch_shapes=[
            pltpu.VMEM((L, 1), jnp.float32),
            pltpu.VMEM((L, 1), jnp.int32),
        ],
    )(zf, embedding, rs, cs)
    return idx2d.reshape(-1)


def _sc_body(emb_hbm, idx_hbm, zf_hbm, zq_hbm, loss_hbm, cnt_hbm,
             idx_v, rows_v, zfc_v, pres_v, idxall_v, out16f_v, out16i_v, sem):
    L = NW * 4 * CH
    c = lax.axis_index("c")
    s = lax.axis_index("s")
    w = s * NC + c
    rpw = L // NW
    base = w * rpw

    acc = jnp.zeros((NL,), jnp.float32)
    for ch in range(rpw // CH):
        off = base + ch * CH
        pltpu.sync_copy(idx_hbm.at[pl.ds(off, CH)], idx_v)
        pltpu.async_copy(emb_hbm.at[idx_v], rows_v, sem).wait()
        pltpu.sync_copy(zf_hbm.at[pl.ds(off, CH)], zfc_v)
        pltpu.sync_copy(rows_v, zq_hbm.at[pl.ds(off, CH)])

        def loss_step(i, a):
            r = i // (D // NL)
            j = i % (D // NL)
            x = rows_v[r, pl.ds(j * NL, NL)]
            y = zfc_v[r, pl.ds(j * NL, NL)]
            dlt = x - y
            return a + dlt * dlt

        acc = lax.fori_loop(0, CH * (D // NL), loss_step, acc)

    out16f_v[...] = acc
    pltpu.sync_copy(out16f_v, loss_hbm.at[w])

    pltpu.sync_copy(idx_hbm, idxall_v)
    zeros16 = jnp.zeros((NL,), jnp.int32)
    for t in range(256 // NL):
        pres_v[pl.ds(t * NL, NL)] = zeros16

    lo = w * (N_CODES // NW)
    ones16 = jnp.ones((NL,), jnp.int32)

    def scan_step(i, carry):
        v = idxall_v[pl.ds(i * NL, NL)]
        rel = v - lo
        m = (rel >= 0) & (rel < (N_CODES // NW))
        relc = jnp.clip(rel, 0, (N_CODES // NW) - 1)
        plsc.store_scatter(pres_v, [relc], ones16, mask=m)
        return carry

    lax.fori_loop(0, L // NL, scan_step, 0)

    def cnt_step(t, a):
        return a + pres_v[pl.ds(t * NL, NL)]

    cnt = lax.fori_loop(0, 256 // NL, cnt_step, jnp.zeros((NL,), jnp.int32))
    out16i_v[...] = cnt
    pltpu.sync_copy(out16i_v, cnt_hbm.at[w])


def _sc_gather(embedding, idx, zf):
    L = zf.shape[0]
    mesh = plsc.VectorSubcoreMesh(core_axis_name="c", subcore_axis_name="s")
    kern = pl.kernel(
        _sc_body,
        mesh=mesh,
        compiler_params=pltpu.CompilerParams(needs_layout_passes=False),
        out_type=[
            jax.ShapeDtypeStruct((L, D), jnp.float32),
            jax.ShapeDtypeStruct((NW, NL), jnp.float32),
            jax.ShapeDtypeStruct((NW, NL), jnp.int32),
        ],
        scratch_types=[
            pltpu.VMEM((CH,), jnp.int32),
            pltpu.VMEM((CH, D), jnp.float32),
            pltpu.VMEM((CH, D), jnp.float32),
            pltpu.VMEM((N_CODES // NW,), jnp.int32),
            pltpu.VMEM((L,), jnp.int32),
            pltpu.VMEM((NL,), jnp.float32),
            pltpu.VMEM((NL,), jnp.int32),
            pltpu.SemaphoreType.DMA,
        ],
    )
    return kern(embedding, idx, zf)


def _finalize_body(loss_ref, cnt_ref, loss_o, used_o):
    lp = loss_ref[...]
    cp = cnt_ref[...]
    n = jnp.float32(NW * 4 * CH * D)
    loss_o[...] = jnp.full((1, 1), jnp.sum(lp) / n, jnp.float32)
    used_o[...] = jnp.full((1, 1), jnp.sum(cp).astype(jnp.float32), jnp.float32)


def _tc_finalize(loss_parts, cnt_parts):
    return pl.pallas_call(
        _finalize_body,
        out_shape=[
            jax.ShapeDtypeStruct((1, 1), jnp.float32),
            jax.ShapeDtypeStruct((1, 1), jnp.float32),
        ],
    )(loss_parts, cnt_parts)


def kernel(z, embedding):
    B, C, H, W = z.shape
    zp = jnp.transpose(z, (0, 2, 3, 1))
    zf = zp.reshape(-1, D)
    rs = jnp.sum(zf ** 2, axis=1, keepdims=True)
    cs = jnp.sum(embedding ** 2, axis=1).reshape(1, -1)

    min_encoding_indices = _tc_argmin(zf, embedding, rs, cs)

    zq_flat, loss_parts, cnt_parts = _sc_gather(embedding, min_encoding_indices, zf)
    loss2d, used2d = _tc_finalize(loss_parts, cnt_parts)

    z_q = zq_flat.reshape(B, H, W, C)
    z_q = jnp.transpose(z_q, (0, 3, 1, 2))
    loss = loss2d.reshape(())
    used = used2d.reshape(())
    index = min_encoding_indices.reshape(B, H, W)
    return (z_q, used, loss, index)

# --- scband reference (transcript-rebuilt; emitter-appended) ---
"""Pipeline reference for scband-emavector-quantizer-85804856640196 (READ-ONLY COPY).

The authoritative reference and input builder live on the scoring server;
editing this copy changes nothing except your own understanding.
"""

import jax, jax.numpy as jnp
import numpy as np

N_E = 8192
E_DIM = 256

def setup_inputs(seed: int = 0):
    key = jax.random.key(seed)
    k1, k2 = jax.random.split(key)
    z = jax.random.normal(k1, (16, 256, 32, 32), dtype=jnp.float32)
    embedding = jax.random.normal(k2, (N_E, E_DIM), dtype=jnp.float32)
    return {"z": z, "embedding": embedding}

def reference(z, embedding):
    # EMAVectorQuantizer.forward (eval mode, embed_ema=True, euclidean, retrive)
    B, C, H, W = z.shape
    zp = jnp.transpose(z, (0, 2, 3, 1))          # B,H,W,C
    zf = zp.reshape(-1, E_DIM)                   # L,D
    # euclidean distance: ||z||^2 + ||e||^2 - 2 z e^T
    d = (jnp.sum(zf ** 2, axis=1, keepdims=True)
         + jnp.sum(embedding ** 2, axis=1)
         - 2.0 * jnp.matmul(zf, embedding.T))    # L,K
    min_encoding_indices = jnp.argmin(d, axis=1)  # L
    z_q = jnp.take(embedding, min_encoding_indices, axis=0)  # L,D (retrive)
    z_q = z_q.reshape(B, H, W, -1)
    # embed_ema=True -> commitment-only loss
    loss = jnp.mean((jax.lax.stop_gradient(z_q) - zp) ** 2)
    # straight-through estimator
    z_q = zp + jax.lax.stop_gradient(z_q - zp)
    z_q = jnp.transpose(z_q, (0, 3, 1, 2))       # B,C,H,W
    used = jnp.zeros_like(loss) + (jnp.bincount(min_encoding_indices, length=N_E) > 0).sum().astype(loss.dtype)
    index = min_encoding_indices.reshape(B, H, W)
    return (z_q, used, loss, index)

if __name__ == "__main__":
    import jax
    _d = setup_inputs()
    print(jax.jit(kernel)(*tuple(_d.values())))

</pallas_src>

<mosaic_0001>
#map = affine_map<(d0, d1) -> (0, 0)>
#map1 = affine_map<(d0, d1) -> (0)>
module attributes {stable_mosaic.version = 14 : i64} {
  func.func @_sc_body(%arg0: i32, %arg1: i32, %arg2: memref<8192x256xf32, #tpu.memory_space<hbm>>, %arg3: memref<16384xi32, #tpu.memory_space<hbm>>, %arg4: memref<16384x256xf32, #tpu.memory_space<hbm>>, %arg5: memref<16384x256xf32, #tpu.memory_space<hbm>>, %arg6: memref<32x16xf32, #tpu.memory_space<hbm>>, %arg7: memref<32x16xi32, #tpu.memory_space<hbm>>, %arg8: memref<128xi32, #tpu.memory_space<vmem>>, %arg9: memref<128x256xf32, #tpu.memory_space<vmem>>, %arg10: memref<128x256xf32, #tpu.memory_space<vmem>>, %arg11: memref<256xi32, #tpu.memory_space<vmem>>, %arg12: memref<16384xi32, #tpu.memory_space<vmem>>, %arg13: memref<16xf32, #tpu.memory_space<vmem>>, %arg14: memref<16xi32, #tpu.memory_space<vmem>>, %arg15: memref<!tpu.dma_semaphore, #tpu.memory_space<semaphore_mem>>) attributes {dimension_semantics = [#tpu.dimension_semantics<core_parallel>, #tpu.dimension_semantics<subcore_parallel>], iteration_bounds = array<i64: 2, 16>, scalar_prefetch = 0 : i64, scratch_operands = 8 : i64, tpu.core_type = #tpu.core_type<sc_vector_subcore>, window_params = [{transform_indices = #map}, {transform_indices = #map1}, {transform_indices = #map}, {transform_indices = #map}, {transform_indices = #map}, {transform_indices = #map}]} {
    %mul3A = arith.constant 2 : i32
    %mul3A_0 = arith.muli %arg1, %mul3A : i32
    %add3A = arith.addi %mul3A_0, %arg0 : i32
    %mul3A_1 = arith.constant 512 : i32
    %mul3A_2 = arith.muli %add3A, %mul3A_1 : i32
    %broadcast_in_dim3A = arith.constant 0.000000e+00 : f32
    %broadcast_in_dim3A_3 = vector.broadcast %broadcast_in_dim3A : f32 to vector<16xf32>
    %add3A_4 = arith.constant 0 : i32
    %add3A_5 = arith.addi %mul3A_2, %add3A_4 : i32
    "tpu.region"() ({
      %run_scoped3A = tpu.sem_alloc : memref<!tpu.dma_semaphore, #tpu.memory_space<semaphore_mem>>
      %dma_start3A_112 = tpu.memref_slice %arg3[%add3A_5] : memref<16384xi32, #tpu.memory_space<hbm>> -> memref<128xi32, #tpu.memory_space<hbm>>
      %dma_start3A_113 = tpu.memref_slice %arg3[%add3A_5] : memref<16384xi32, #tpu.memory_space<hbm>> -> memref<128xi32, #tpu.memory_space<hbm>>
      tpu.enqueue_dma source(%dma_start3A_113 : memref<128xi32, #tpu.memory_space<hbm>>) target(%arg8 : memref<128xi32, #tpu.memory_space<vmem>>) target_semaphore(%run_scoped3A : memref<!tpu.dma_semaphore, #tpu.memory_space<semaphore_mem>>)
      %dma_wait3A_114 = tpu.memref_slice %arg3[%add3A_5] : memref<16384xi32, #tpu.memory_space<hbm>> -> memref<128xi32, #tpu.memory_space<hbm>>
      %dma_wait3A_115 = tpu.memref_slice %arg3[%add3A_5] : memref<16384xi32, #tpu.memory_space<hbm>> -> memref<128xi32, #tpu.memory_space<hbm>>
      tpu.wait_dma2 semaphore(%run_scoped3A : memref<!tpu.dma_semaphore, #tpu.memory_space<semaphore_mem>>) src(%dma_wait3A_115 : memref<128xi32, #tpu.memory_space<hbm>>) dst(%arg8 : memref<128xi32, #tpu.memory_space<vmem>>)
      tpu.yield
    }) : () -> ()
    %dma_start3A = arith.constant 0 : i32
    %dma_start3A_6 = arith.constant 0 : i32
    %dma_start3A_7 = tpu.memref_slice %arg2[%dma_start3A, %dma_start3A_6] : memref<8192x256xf32, #tpu.memory_space<hbm>> -> memref<8192x256xf32, #tpu.memory_space<hbm>>
    tpu.enqueue_indirect_dma source(%dma_start3A_7 : memref<8192x256xf32, #tpu.memory_space<hbm>>) target(%arg9 : memref<128x256xf32, #tpu.memory_space<vmem>>) offsets(%arg8 : memref<128xi32, #tpu.memory_space<vmem>>) semaphore(%arg15 : memref<!tpu.dma_semaphore, #tpu.memory_space<semaphore_mem>>)
    %dma_wait3A = arith.constant 0 : i32
    %dma_wait3A_8 = arith.constant 0 : i32
    %dma_wait3A_9 = tpu.memref_slice %arg2[%dma_wait3A, %dma_wait3A_8] : memref<8192x256xf32, #tpu.memory_space<hbm>> -> memref<8192x256xf32, #tpu.memory_space<hbm>>
    tpu.wait_indirect_dma semaphore(%arg15 : memref<!tpu.dma_semaphore, #tpu.memory_space<semaphore_mem>>) src(%dma_wait3A_9 : memref<8192x256xf32, #tpu.memory_space<hbm>>) dst(%arg9 : memref<128x256xf32, #tpu.memory_space<vmem>>)
    "tpu.region"() ({
      %run_scoped3A = tpu.sem_alloc : memref<!tpu.dma_semaphore, #tpu.memory_space<semaphore_mem>>
      %dma_start3A_112 = arith.constant 0 : i32
      %dma_start3A_113 = tpu.memref_slice %arg4[%add3A_5, %dma_start3A_112] : memref<16384x256xf32, #tpu.memory_space<hbm>> -> memref<128x256xf32, #tpu.memory_space<hbm>>
      %dma_start3A_114 = arith.constant 0 : i32
      %dma_start3A_115 = tpu.memref_slice %arg4[%add3A_5, %dma_start3A_114] : memref<16384x256xf32, #tpu.memory_space<hbm>> -> memref<128x256xf32, #tpu.memory_space<hbm>>
      tpu.enqueue_dma source(%dma_start3A_115 : memref<128x256xf32, #tpu.memory_space<hbm>>) target(%arg10 : memref<128x256xf32, #tpu.memory_space<vmem>>) target_semaphore(%run_scoped3A : memref<!tpu.dma_semaphore, #tpu.memory_space<semaphore_mem>>)
      %dma_wait3A_116 = arith.constant 0 : i32
      %dma_wait3A_117 = tpu.memref_slice %arg4[%add3A_5, %dma_wait3A_116] : memref<16384x256xf32, #tpu.memory_space<hbm>> -> memref<128x256xf32, #tpu.memory_space<hbm>>
      %dma_wait3A_118 = arith.constant 0 : i32
      %dma_wait3A_119 = tpu.memref_slice %arg4[%add3A_5, %dma_wait3A_118] : memref<16384x256xf32, #tpu.memory_space<hbm>> -> memref<128x256xf32, #tpu.memory_space<hbm>>
      tpu.wait_dma2 semaphore(%run_scoped3A : memref<!tpu.dma_semaphore, #tpu.memory_space<semaphore_mem>>) src(%dma_wait3A_119 : memref<128x256xf32, #tpu.memory_space<hbm>>) dst(%arg10 : memref<128x256xf32, #tpu.memory_space<vmem>>)
      tpu.yield
    }) : () -> ()
    "tpu.region"() ({
      %run_scoped3A = tpu.sem_alloc : memref<!tpu.dma_semaphore, #tpu.memory_space<semaphore_mem>>
      %dma_start3A_112 = arith.constant 0 : i32
      %dma_start3A_113 = tpu.memref_slice %arg5[%add3A_5, %dma_start3A_112] : memref<16384x256xf32, #tpu.memory_space<hbm>> -> memref<128x256xf32, #tpu.memory_space<hbm>>
      %dma_start3A_114 = arith.constant 0 : i32
      %dma_start3A_115 = tpu.memref_slice %arg5[%add3A_5, %dma_start3A_114] : memref<16384x256xf32, #tpu.memory_space<hbm>> -> memref<128x256xf32, #tpu.memory_space<hbm>>
      tpu.enqueue_dma source(%arg9 : memref<128x256xf32, #tpu.memory_space<vmem>>) target(%dma_start3A_115 : memref<128x256xf32, #tpu.memory_space<hbm>>) target_semaphore(%run_scoped3A : memref<!tpu.dma_semaphore, #tpu.memory_space<semaphore_mem>>)
      %dma_wait3A_116 = arith.constant 0 : i32
      %dma_wait3A_117 = tpu.memref_slice %arg5[%add3A_5, %dma_wait3A_116] : memref<16384x256xf32, #tpu.memory_space<hbm>> -> memref<128x256xf32, #tpu.memory_space<hbm>>
      %dma_wait3A_118 = arith.constant 0 : i32
      %dma_wait3A_119 = tpu.memref_slice %arg5[%add3A_5, %dma_wait3A_118] : memref<16384x256xf32, #tpu.memory_space<hbm>> -> memref<128x256xf32, #tpu.memory_space<hbm>>
      tpu.wait_dma2 semaphore(%run_scoped3A : memref<!tpu.dma_semaphore, #tpu.memory_space<semaphore_mem>>) src(%arg9 : memref<128x256xf32, #tpu.memory_space<vmem>>) dst(%dma_wait3A_119 : memref<128x256xf32, #tpu.memory_space<hbm>>)
      tpu.yield
    }) : () -> ()
    %scan3A = arith.constant 0 : i32
    %scan3A_10 = arith.constant 2048 : i32
    %scan3A_11 = arith.addi %scan3A, %scan3A_10 : i32
    %scan3A_12 = arith.constant 1 : i32
    %scan3A_13 = scf.for %scan3A_112 = %scan3A to %scan3A_11 step %scan3A_12 iter_args(%scan3A_113 = %broadcast_in_dim3A_3) -> (vector<16xf32>)  : i32 {
      %jit3A = arith.constant 16 : i32
      %div3A = arith.divsi %scan3A_112, %jit3A : i32
      %sign3A = arith.constant 0 : i32
      %sign3A_114 = arith.cmpi sgt, %scan3A_112, %sign3A : i32
      %sign3A_115 = arith.extui %sign3A_114 : i1 to i32
      %sign3A_116 = arith.constant 0 : i32
      %sign3A_117 = arith.cmpi slt, %scan3A_112, %sign3A_116 : i32
      %sign3A_118 = arith.extui %sign3A_117 : i1 to i32
      %sign3A_119 = arith.subi %sign3A_115, %sign3A_118 : i32
      %sign3A_120 = arith.constant 0 : i32
      %sign3A_121 = arith.cmpi sgt, %jit3A, %sign3A_120 : i32
      %sign3A_122 = arith.extui %sign3A_121 : i1 to i32
      %sign3A_123 = arith.constant 0 : i32
      %sign3A_124 = arith.cmpi slt, %jit3A, %sign3A_123 : i32
      %sign3A_125 = arith.extui %sign3A_124 : i1 to i32
      %sign3A_126 = arith.subi %sign3A_122, %sign3A_125 : i32
      %ne3A = arith.cmpi ne, %sign3A_119, %sign3A_126 : i32
      %rem3A = arith.remsi %scan3A_112, %jit3A : i32
      %ne3A_127 = arith.constant 0 : i32
      %ne3A_128 = arith.cmpi ne, %rem3A, %ne3A_127 : i32
      %and3A = arith.andi %ne3A, %ne3A_128 : i1
      %sub3A = arith.constant 1 : i32
      %sub3A_129 = arith.subi %div3A, %sub3A : i32
      %select_n3A = arith.select %and3A, %sub3A_129, %div3A : i32
      %jit3A_130 = arith.constant 16 : i32
      %eq3A = arith.constant 0 : i32
      %eq3A_131 = arith.cmpi eq, %jit3A_130, %eq3A : i32
      %jit3A_132 = arith.constant 1 : i32
      %select_n3A_133 = arith.select %eq3A_131, %jit3A_132, %jit3A_130 : i32
      %rem3A_134 = arith.remsi %scan3A_112, %select_n3A_133 : i32
      %ne3A_135 = arith.constant 0 : i32
      %ne3A_136 = arith.cmpi ne, %rem3A_134, %ne3A_135 : i32
      %lt3A = arith.constant 0 : i32
      %lt3A_137 = arith.cmpi slt, %rem3A_134, %lt3A : i32
      %lt3A_138 = arith.constant 0 : i32
      %lt3A_139 = arith.cmpi slt, %select_n3A_133, %lt3A_138 : i32
      %ne3A_140 = arith.xori %lt3A_137, %lt3A_139 : i1
      %and3A_141 = arith.andi %ne3A_140, %ne3A_136 : i1
      %add3A_142 = arith.addi %rem3A_134, %select_n3A_133 : i32
      %select_n3A_143 = arith.select %and3A_141, %add3A_142, %rem3A_134 : i32
      %mul3A_144 = arith.constant 16 : i32
      %mul3A_145 = arith.muli %select_n3A_143, %mul3A_144 : i32
      %get3A = arith.index_cast %select_n3A : i32 to index
      %get3A_146 = arith.index_cast %mul3A_145 : i32 to index
      %get3A_147 = tpu.vector_load %arg9[%get3A, %get3A_146] {strides = array<i32>} : memref<128x256xf32, #tpu.memory_space<vmem>>, vector<16xf32>,
      %mul3A_148 = arith.constant 16 : i32
      %mul3A_149 = arith.muli %select_n3A_143, %mul3A_148 : i32
      %get3A_150 = arith.index_cast %select_n3A : i32 to index
      %get3A_151 = arith.index_cast %mul3A_149 : i32 to index
      %get3A_152 = tpu.vector_load %arg10[%get3A_150, %get3A_151] {strides = array<i32>} : memref<128x256xf32, #tpu.memory_space<vmem>>, vector<16xf32>,
      %sub3A_153 = arith.subf %get3A_147, %get3A_152 : vector<16xf32>
      %mul3A_154 = arith.mulf %sub3A_153, %sub3A_153 : vector<16xf32>
      %add3A_155 = arith.addf %scan3A_113, %mul3A_154 : vector<16xf32>
      scf.yield %add3A_155 : vector<16xf32>
    }
    %scan3A_14 = arith.constant 2048 : i32
    %add3A_15 = arith.constant 128 : i32
    %add3A_16 = arith.addi %mul3A_2, %add3A_15 : i32
    "tpu.region"() ({
      %run_scoped3A = tpu.sem_alloc : memref<!tpu.dma_semaphore, #tpu.memory_space<semaphore_mem>>
      %dma_start3A_112 = tpu.memref_slice %arg3[%add3A_16] : memref<16384xi32, #tpu.memory_space<hbm>> -> memref<128xi32, #tpu.memory_space<hbm>>
      %dma_start3A_113 = tpu.memref_slice %arg3[%add3A_16] : memref<16384xi32, #tpu.memory_space<hbm>> -> memref<128xi32, #tpu.memory_space<hbm>>
      tpu.enqueue_dma source(%dma_start3A_113 : memref<128xi32, #tpu.memory_space<hbm>>) target(%arg8 : memref<128xi32, #tpu.memory_space<vmem>>) target_semaphore(%run_scoped3A : memref<!tpu.dma_semaphore, #tpu.memory_space<semaphore_mem>>)
      %dma_wait3A_114 = tpu.memref_slice %arg3[%add3A_16] : memref<16384xi32, #tpu.memory_space<hbm>> -> memref<128xi32, #tpu.memory_space<hbm>>
      %dma_wait3A_115 = tpu.memref_slice %arg3[%add3A_16] : memref<16384xi32, #tpu.memory_space<hbm>> -> memref<128xi32, #tpu.memory_space<hbm>>
      tpu.wait_dma2 semaphore(%run_scoped3A : memref<!tpu.dma_semaphore, #tpu.memory_space<semaphore_mem>>) src(%dma_wait3A_115 : memref<128xi32, #tpu.memory_space<hbm>>) dst(%arg8 : memref<128xi32, #tpu.memory_space<vmem>>)
      tpu.yield
    }) : () -> ()
    %dma_start3A_17 = arith.constant 0 : i32
    %dma_start3A_18 = arith.constant 0 : i32
    %dma_start3A_19 = tpu.memref_slice %arg2[%dma_start3A_17, %dma_start3A_18] : memref<8192x256xf32, #tpu.memory_space<hbm>> -> memref<8192x256xf32, #tpu.memory_space<hbm>>
    tpu.enqueue_indirect_dma source(%dma_start3A_19 : memref<8192x256xf32, #tpu.memory_space<hbm>>) target(%arg9 : memref<128x256xf32, #tpu.memory_space<vmem>>) offsets(%arg8 : memref<128xi32, #tpu.memory_space<vmem>>) semaphore(%arg15 : memref<!tpu.dma_semaphore, #tpu.memory_space<semaphore_mem>>)
    %dma_wait3A_20 = arith.constant 0 : i32
    %dma_wait3A_21 = arith.constant 0 : i32
    %dma_wait3A_22 = tpu.memref_slice %arg2[%dma_wait3A_20, %dma_wait3A_21] : memref<8192x256xf32, #tpu.memory_space<hbm>> -> memref<8192x256xf32, #tpu.memory_space<hbm>>
    tpu.wait_indirect_dma semaphore(%arg15 : memref<!tpu.dma_semaphore, #tpu.memory_space<semaphore_mem>>) src(%dma_wait3A_22 : memref<8192x256xf32, #tpu.memory_space<hbm>>) dst(%arg9 : memref<128x256xf32, #tpu.memory_space<vmem>>)
    "tpu.region"() ({
      %run_scoped3A = tpu.sem_alloc : memref<!tpu.dma_semaphore, #tpu.memory_space<semaphore_mem>>
      %dma_start3A_112 = arith.constant 0 : i32
      %dma_start3A_113 = tpu.memref_slice %arg4[%add3A_16, %dma_start3A_112] : memref<16384x256xf32, #tpu.memory_space<hbm>> -> memref<128x256xf32, #tpu.memory_space<hbm>>
      %dma_start3A_114 = arith.constant 0 : i32
      %dma_start3A_115 = tpu.memref_slice %arg4[%add3A_16, %dma_start3A_114] : memref<16384x256xf32, #tpu.memory_space<hbm>> -> memref<128x256xf32, #tpu.memory_space<hbm>>
      tpu.enqueue_dma source(%dma_start3A_115 : memref<128x256xf32, #tpu.memory_space<hbm>>) target(%arg10 : memref<128x256xf32, #tpu.memory_space<vmem>>) target_semaphore(%run_scoped3A : memref<!tpu.dma_semaphore, #tpu.memory_space<semaphore_mem>>)
      %dma_wait3A_116 = arith.constant 0 : i32
      %dma_wait3A_117 = tpu.memref_slice %arg4[%add3A_16, %dma_wait3A_116] : memref<16384x256xf32, #tpu.memory_space<hbm>> -> memref<128x256xf32, #tpu.memory_space<hbm>>
      %dma_wait3A_118 = arith.constant 0 : i32
      %dma_wait3A_119 = tpu.memref_slice %arg4[%add3A_16, %dma_wait3A_118] : memref<16384x256xf32, #tpu.memory_space<hbm>> -> memref<128x256xf32, #tpu.memory_space<hbm>>
      tpu.wait_dma2 semaphore(%run_scoped3A : memref<!tpu.dma_semaphore, #tpu.memory_space<semaphore_mem>>) src(%dma_wait3A_119 : memref<128x256xf32, #tpu.memory_space<hbm>>) dst(%arg10 : memref<128x256xf32, #tpu.memory_space<vmem>>)
      tpu.yield
    }) : () -> ()
    "tpu.region"() ({
      %run_scoped3A = tpu.sem_alloc : memref<!tpu.dma_semaphore, #tpu.memory_space<semaphore_mem>>
      %dma_start3A_112 = arith.constant 0 : i32
      %dma_start3A_113 = tpu.memref_slice %arg5[%add3A_16, %dma_start3A_112] : memref<16384x256xf32, #tpu.memory_space<hbm>> -> memref<128x256xf32, #tpu.memory_space<hbm>>
      %dma_start3A_114 = arith.constant 0 : i32
      %dma_start3A_115 = tpu.memref_slice %arg5[%add3A_16, %dma_start3A_114] : memref<16384x256xf32, #tpu.memory_space<hbm>> -> memref<128x256xf32, #tpu.memory_space<hbm>>
      tpu.enqueue_dma source(%arg9 : memref<128x256xf32, #tpu.memory_space<vmem>>) target(%dma_start3A_115 : memref<128x256xf32, #tpu.memory_space<hbm>>) target_semaphore(%run_scoped3A : memref<!tpu.dma_semaphore, #tpu.memory_space<semaphore_mem>>)
      %dma_wait3A_116 = arith.constant 0 : i32
      %dma_wait3A_117 = tpu.memref_slice %arg5[%add3A_16, %dma_wait3A_116] : memref<16384x256xf32, #tpu.memory_space<hbm>> -> memref<128x256xf32, #tpu.memory_space<hbm>>
      %dma_wait3A_118 = arith.constant 0 : i32
      %dma_wait3A_119 = tpu.memref_slice %arg5[%add3A_16, %dma_wait3A_118] : memref<16384x256xf32, #tpu.memory_space<hbm>> -> memref<128x256xf32, #tpu.memory_space<hbm>>
      tpu.wait_dma2 semaphore(%run_scoped3A : memref<!tpu.dma_semaphore, #tpu.memory_space<semaphore_mem>>) src(%arg9 : memref<128x256xf32, #tpu.memory_space<vmem>>) dst(%dma_wait3A_119 : memref<128x256xf32, #tpu.memory_space<hbm>>)
      tpu.yield
    }) : () -> ()
    %scan3A_23 = arith.constant 0 : i32
    %scan3A_24 = arith.constant 2048 : i32
    %scan3A_25 = arith.addi %scan3A_23, %scan3A_24 : i32
    %scan3A_26 = arith.constant 1 : i32
    %scan3A_27 = scf.for %scan3A_112 = %scan3A_23 to %scan3A_25 step %scan3A_26 iter_args(%scan3A_113 = %scan3A_13) -> (vector<16xf32>)  : i32 {
      %jit3A = arith.constant 16 : i32
      %div3A = arith.divsi %scan3A_112, %jit3A : i32
      %sign3A = arith.constant 0 : i32
      %sign3A_114 = arith.cmpi sgt, %scan3A_112, %sign3A : i32
      %sign3A_115 = arith.extui %sign3A_114 : i1 to i32
      %sign3A_116 = arith.constant 0 : i32
      %sign3A_117 = arith.cmpi slt, %scan3A_112, %sign3A_116 : i32
      %sign3A_118 = arith.extui %sign3A_117 : i1 to i32
      %sign3A_119 = arith.subi %sign3A_115, %sign3A_118 : i32
      %sign3A_120 = arith.constant 0 : i32
      %sign3A_121 = arith.cmpi sgt, %jit3A, %sign3A_120 : i32
      %sign3A_122 = arith.extui %sign3A_121 : i1 to i32
      %sign3A_123 = arith.constant 0 : i32
      %sign3A_124 = arith.cmpi slt, %jit3A, %sign3A_123 : i32
      %sign3A_125 = arith.extui %sign3A_124 : i1 to i32
      %sign3A_126 = arith.subi %sign3A_122, %sign3A_125 : i32
      %ne3A = arith.cmpi ne, %sign3A_119, %sign3A_126 : i32
      %rem3A = arith.remsi %scan3A_112, %jit3A : i32
      %ne3A_127 = arith.constant 0 : i32
      %ne3A_128 = arith.cmpi ne, %rem3A, %ne3A_127 : i32
      %and3A = arith.andi %ne3A, %ne3A_128 : i1
      %sub3A = arith.constant 1 : i32
      %sub3A_129 = arith.subi %div3A, %sub3A : i32
      %select_n3A = arith.select %and3A, %sub3A_129, %div3A : i32
      %jit3A_130 = arith.constant 16 : i32
      %eq3A = arith.constant 0 : i32
      %eq3A_131 = arith.cmpi eq, %jit3A_130, %eq3A : i32
      %jit3A_132 = arith.constant 1 : i32
      %select_n3A_133 = arith.select %eq3A_131, %jit3A_132, %jit3A_130 : i32
      %rem3A_134 = arith.remsi %scan3A_112, %select_n3A_133 : i32
      %ne3A_135 = arith.constant 0 : i32
      %ne3A_136 = arith.cmpi ne, %rem3A_134, %ne3A_135 : i32
      %lt3A = arith.constant 0 : i32
      %lt3A_137 = arith.cmpi slt, %rem3A_134, %lt3A : i32
      %lt3A_138 = arith.constant 0 : i32
      %lt3A_139 = arith.cmpi slt, %select_n3A_133, %lt3A_138 : i32
      %ne3A_140 = arith.xori %lt3A_137, %lt3A_139 : i1
      %and3A_141 = arith.andi %ne3A_140, %ne3A_136 : i1
      %add3A_142 = arith.addi %rem3A_134, %select_n3A_133 : i32
      %select_n3A_143 = arith.select %and3A_141, %add3A_142, %rem3A_134 : i32
      %mul3A_144 = arith.constant 16 : i32
      %mul3A_145 = arith.muli %select_n3A_143, %mul3A_144 : i32
      %get3A = arith.index_cast %select_n3A : i32 to index
      %get3A_146 = arith.index_cast %mul3A_145 : i32 to index
      %get3A_147 = tpu.vector_load %arg9[%get3A, %get3A_146] {strides = array<i32>} : memref<128x256xf32, #tpu.memory_space<vmem>>, vector<16xf32>,
      %mul3A_148 = arith.constant 16 : i32
      %mul3A_149 = arith.muli %select_n3A_143, %mul3A_148 : i32
      %get3A_150 = arith.index_cast %select_n3A : i32 to index
      %get3A_151 = arith.index_cast %mul3A_149 : i32 to index
      %get3A_152 = tpu.vector_load %arg10[%get3A_150, %get3A_151] {strides = array<i32>} : memref<128x256xf32, #tpu.memory_space<vmem>>, vector<16xf32>,
      %sub3A_153 = arith.subf %get3A_147, %get3A_152 : vector<16xf32>
      %mul3A_154 = arith.mulf %sub3A_153, %sub3A_153 : vector<16xf32>
      %add3A_155 = arith.addf %scan3A_113, %mul3A_154 : vector<16xf32>
      scf.yield %add3A_155 : vector<16xf32>
    }
    %scan3A_28 = arith.constant 2048 : i32
    %add3A_29 = arith.constant 256 : i32
    %add3A_30 = arith.addi %mul3A_2, %add3A_29 : i32
    "tpu.region"() ({
      %run_scoped3A = tpu.sem_alloc : memref<!tpu.dma_semaphore, #tpu.memory_space<semaphore_mem>>
      %dma_start3A_112 = tpu.memref_slice %arg3[%add3A_30] : memref<16384xi32, #tpu.memory_space<hbm>> -> memref<128xi32, #tpu.memory_space<hbm>>
      %dma_start3A_113 = tpu.memref_slice %arg3[%add3A_30] : memref<16384xi32, #tpu.memory_space<hbm>> -> memref<128xi32, #tpu.memory_space<hbm>>
      tpu.enqueue_dma source(%dma_start3A_113 : memref<128xi32, #tpu.memory_space<hbm>>) target(%arg8 : memref<128xi32, #tpu.memory_space<vmem>>) target_semaphore(%run_scoped3A : memref<!tpu.dma_semaphore, #tpu.memory_space<semaphore_mem>>)
      %dma_wait3A_114 = tpu.memref_slice %arg3[%add3A_30] : memref<16384xi32, #tpu.memory_space<hbm>> -> memref<128xi32, #tpu.memory_space<hbm>>
      %dma_wait3A_115 = tpu.memref_slice %arg3[%add3A_30] : memref<16384xi32, #tpu.memory_space<hbm>> -> memref<128xi32, #tpu.memory_space<hbm>>
      tpu.wait_dma2 semaphore(%run_scoped3A : memref<!tpu.dma_semaphore, #tpu.memory_space<semaphore_mem>>) src(%dma_wait3A_115 : memref<128xi32, #tpu.memory_space<hbm>>) dst(%arg8 : memref<128xi32, #tpu.memory_space<vmem>>)
      tpu.yield
    }) : () -> ()
    %dma_start3A_31 = arith.constant 0 : i32
    %dma_start3A_32 = arith.constant 0 : i32
    %dma_start3A_33 = tpu.memref_slice %arg2[%dma_start3A_31, %dma_start3A_32] : memref<8192x256xf32, #tpu.memory_space<hbm>> -> memref<8192x256xf32, #tpu.memory_space<hbm>>
    tpu.enqueue_indirect_dma source(%dma_start3A_33 : memref<8192x256xf32, #tpu.memory_space<hbm>>) target(%arg9 : memref<128x256xf32, #tpu.memory_space<vmem>>) offsets(%arg8 : memref<128xi32, #tpu.memory_space<vmem>>) semaphore(%arg15 : memref<!tpu.dma_semaphore, #tpu.memory_space<semaphore_mem>>)
    %dma_wait3A_34 = arith.constant 0 : i32
    %dma_wait3A_35 = arith.constant 0 : i32
    %dma_wait3A_36 = tpu.memref_slice %arg2[%dma_wait3A_34, %dma_wait3A_35] : memref<8192x256xf32, #tpu.memory_space<hbm>> -> memref<8192x256xf32, #tpu.memory_space<hbm>>
    tpu.wait_indirect_dma semaphore(%arg15 : memref<!tpu.dma_semaphore, #tpu.memory_space<semaphore_mem>>) src(%dma_wait3A_36 : memref<8192x256xf32, #tpu.memory_space<hbm>>) dst(%arg9 : memref<128x256xf32, #tpu.memory_space<vmem>>)
    "tpu.region"() ({
      %run_scoped3A = tpu.sem_alloc : memref<!tpu.dma_semaphore, #tpu.memory_space<semaphore_mem>>
      %dma_start3A_112 = arith.constant 0 : i32
      %dma_start3A_113 = tpu.memref_slice %arg4[%add3A_30, %dma_start3A_112] : memref<16384x256xf32, #tpu.memory_space<hbm>> -> memref<128x256xf32, #tpu.memory_space<hbm>>
      %dma_start3A_114 = arith.constant 0 : i32
      %dma_start3A_115 = tpu.memref_slice %arg4[%add3A_30, %dma_start3A_114] : memref<16384x256xf32, #tpu.memory_space<hbm>> -> memref<128x256xf32, #tpu.memory_space<hbm>>
      tpu.enqueue_dma source(%dma_start3A_115 : memref<128x256xf32, #tpu.memory_space<hbm>>) target(%arg10 : memref<128x256xf32, #tpu.memory_space<vmem>>) target_semaphore(%run_scoped3A : memref<!tpu.dma_semaphore, #tpu.memory_space<semaphore_mem>>)
      %dma_wait3A_116 = arith.constant 0 : i32
      %dma_wait3A_117 = tpu.memref_slice %arg4[%add3A_30, %dma_wait3A_116] : memref<16384x256xf32, #tpu.memory_space<hbm>> -> memref<128x256xf32, #tpu.memory_space<hbm>>
      %dma_wait3A_118 = arith.constant 0 : i32
      %dma_wait3A_119 = tpu.memref_slice %arg4[%add3A_30, %dma_wait3A_118] : memref<16384x256xf32, #tpu.memory_space<hbm>> -> memref<128x256xf32, #tpu.memory_space<hbm>>
      tpu.wait_dma2 semaphore(%run_scoped3A : memref<!tpu.dma_semaphore, #tpu.memory_space<semaphore_mem>>) src(%dma_wait3A_119 : memref<128x256xf32, #tpu.memory_space<hbm>>) dst(%arg10 : memref<128x256xf32, #tpu.memory_space<vmem>>)
      tpu.yield
    }) : () -> ()
    "tpu.region"() ({
      %run_scoped3A = tpu.sem_alloc : memref<!tpu.dma_semaphore, #tpu.memory_space<semaphore_mem>>
      %dma_start3A_112 = arith.constant 0 : i32
      %dma_start3A_113 = tpu.memref_slice %arg5[%add3A_30, %dma_start3A_112] : memref<16384x256xf32, #tpu.memory_space<hbm>> -> memref<128x256xf32, #tpu.memory_space<hbm>>
      %dma_start3A_114 = arith.constant 0 : i32
      %dma_start3A_115 = tpu.memref_slice %arg5[%add3A_30, %dma_start3A_114] : memref<16384x256xf32, #tpu.memory_space<hbm>> -> memref<128x256xf32, #tpu.memory_space<hbm>>
      tpu.enqueue_dma source(%arg9 : memref<128x256xf32, #tpu.memory_space<vmem>>) target(%dma_start3A_115 : memref<128x256xf32, #tpu.memory_space<hbm>>) target_semaphore(%run_scoped3A : memref<!tpu.dma_semaphore, #tpu.memory_space<semaphore_mem>>)
      %dma_wait3A_116 = arith.constant 0 : i32
      %dma_wait3A_117 = tpu.memref_slice %arg5[%add3A_30, %dma_wait3A_116] : memref<16384x256xf32, #tpu.memory_space<hbm>> -> memref<128x256xf32, #tpu.memory_space<hbm>>
      %dma_wait3A_118 = arith.constant 0 : i32
      %dma_wait3A_119 = tpu.memref_slice %arg5[%add3A_30, %dma_wait3A_118] : memref<16384x256xf32, #tpu.memory_space<hbm>> -> memref<128x256xf32, #tpu.memory_space<hbm>>
      tpu.wait_dma2 semaphore(%run_scoped3A : memref<!tpu.dma_semaphore, #tpu.memory_space<semaphore_mem>>) src(%arg9 : memref<128x256xf32, #tpu.memory_space<vmem>>) dst(%dma_wait3A_119 : memref<128x256xf32, #tpu.memory_space<hbm>>)
      tpu.yield
    }) : () -> ()
    %scan3A_37 = arith.constant 0 : i32
    %scan3A_38 = arith.constant 2048 : i32
    %scan3A_39 = arith.addi %scan3A_37, %scan3A_38 : i32
    %scan3A_40 = arith.constant 1 : i32
    %scan3A_41 = scf.for %scan3A_112 = %scan3A_37 to %scan3A_39 step %scan3A_40 iter_args(%scan3A_113 = %scan3A_27) -> (vector<16xf32>)  : i32 {
      %jit3A = arith.constant 16 : i32
      %div3A = arith.divsi %scan3A_112, %jit3A : i32
      %sign3A = arith.constant 0 : i32
      %sign3A_114 = arith.cmpi sgt, %scan3A_112, %sign3A : i32
      %sign3A_115 = arith.extui %sign3A_114 : i1 to i32
      %sign3A_116 = arith.constant 0 : i32
      %sign3A_117 = arith.cmpi slt, %scan3A_112, %sign3A_116 : i32
      %sign3A_118 = arith.extui %sign3A_117 : i1 to i32
      %sign3A_119 = arith.subi %sign3A_115, %sign3A_118 : i32
      %sign3A_120 = arith.constant 0 : i32
      %sign3A_121 = arith.cmpi sgt, %jit3A, %sign3A_120 : i32
      %sign3A_122 = arith.extui %sign3A_121 : i1 to i32
      %sign3A_123 = arith.constant 0 : i32
      %sign3A_124 = arith.cmpi slt, %jit3A, %sign3A_123 : i32
      %sign3A_125 = arith.extui %sign3A_124 : i1 to i32
      %sign3A_126 = arith.subi %sign3A_122, %sign3A_125 : i32
      %ne3A = arith.cmpi ne, %sign3A_119, %sign3A_126 : i32
      %rem3A = arith.remsi %scan3A_112, %jit3A : i32
      %ne3A_127 = arith.constant 0 : i32
      %ne3A_128 = arith.cmpi ne, %rem3A, %ne3A_127 : i32
      %and3A = arith.andi %ne3A, %ne3A_128 : i1
      %sub3A = arith.constant 1 : i32
      %sub3A_129 = arith.subi %div3A, %sub3A : i32
      %select_n3A = arith.select %and3A, %sub3A_129, %div3A : i32
      %jit3A_130 = arith.constant 16 : i32
      %eq3A = arith.constant 0 : i32
      %eq3A_131 = arith.cmpi eq, %jit3A_130, %eq3A : i32
      %jit3A_132 = arith.constant 1 : i32
      %select_n3A_133 = arith.select %eq3A_131, %jit3A_132, %jit3A_130 : i32
      %rem3A_134 = arith.remsi %scan3A_112, %select_n3A_133 : i32
      %ne3A_135 = arith.constant 0 : i32
      %ne3A_136 = arith.cmpi ne, %rem3A_134, %ne3A_135 : i32
      %lt3A = arith.constant 0 : i32
      %lt3A_137 = arith.cmpi slt, %rem3A_134, %lt3A : i32
      %lt3A_138 = arith.constant 0 : i32
      %lt3A_139 = arith.cmpi slt, %select_n3A_133, %lt3A_138 : i32
      %ne3A_140 = arith.xori %lt3A_137, %lt3A_139 : i1
      %and3A_141 = arith.andi %ne3A_140, %ne3A_136 : i1
      %add3A_142 = arith.addi %rem3A_134, %select_n3A_133 : i32
      %select_n3A_143 = arith.select %and3A_141, %add3A_142, %rem3A_134 : i32
      %mul3A_144 = arith.constant 16 : i32
      %mul3A_145 = arith.muli %select_n3A_143, %mul3A_144 : i32
      %get3A = arith.index_cast %select_n3A : i32 to index
      %get3A_146 = arith.index_cast %mul3A_145 : i32 to index
      %get3A_147 = tpu.vector_load %arg9[%get3A, %get3A_146] {strides = array<i32>} : memref<128x256xf32, #tpu.memory_space<vmem>>, vector<16xf32>,
      %mul3A_148 = arith.constant 16 : i32
      %mul3A_149 = arith.muli %select_n3A_143, %mul3A_148 : i32
      %get3A_150 = arith.index_cast %select_n3A : i32 to index
      %get3A_151 = arith.index_cast %mul3A_149 : i32 to index
      %get3A_152 = tpu.vector_load %arg10[%get3A_150, %get3A_151] {strides = array<i32>} : memref<128x256xf32, #tpu.memory_space<vmem>>, vector<16xf32>,
      %sub3A_153 = arith.subf %get3A_147, %get3A_152 : vector<16xf32>
      %mul3A_154 = arith.mulf %sub3A_153, %sub3A_153 : vector<16xf32>
      %add3A_155 = arith.addf %scan3A_113, %mul3A_154 : vector<16xf32>
      scf.yield %add3A_155 : vector<16xf32>
    }
    %scan3A_42 = arith.constant 2048 : i32
    %add3A_43 = arith.constant 384 : i32
    %add3A_44 = arith.addi %mul3A_2, %add3A_43 : i32
    "tpu.region"() ({
      %run_scoped3A = tpu.sem_alloc : memref<!tpu.dma_semaphore, #tpu.memory_space<semaphore_mem>>
      %dma_start3A_112 = tpu.memref_slice %arg3[%add3A_44] : memref<16384xi32, #tpu.memory_space<hbm>> -> memref<128xi32, #tpu.memory_space<hbm>>
      %dma_start3A_113 = tpu.memref_slice %arg3[%add3A_44] : memref<16384xi32, #tpu.memory_space<hbm>> -> memref<128xi32, #tpu.memory_space<hbm>>
      tpu.enqueue_dma source(%dma_start3A_113 : memref<128xi32, #tpu.memory_space<hbm>>) target(%arg8 : memref<128xi32, #tpu.memory_space<vmem>>) target_semaphore(%run_scoped3A : memref<!tpu.dma_semaphore, #tpu.memory_space<semaphore_mem>>)
      %dma_wait3A_114 = tpu.memref_slice %arg3[%add3A_44] : memref<16384xi32, #tpu.memory_space<hbm>> -> memref<128xi32, #tpu.memory_space<hbm>>
      %dma_wait3A_115 = tpu.memref_slice %arg3[%add3A_44] : memref<16384xi32, #tpu.memory_space<hbm>> -> memref<128xi32, #tpu.memory_space<hbm>>
      tpu.wait_dma2 semaphore(%run_scoped3A : memref<!tpu.dma_semaphore, #tpu.memory_space<semaphore_mem>>) src(%dma_wait3A_115 : memref<128xi32, #tpu.memory_space<hbm>>) dst(%arg8 : memref<128xi32, #tpu.memory_space<vmem>>)
      tpu.yield
    }) : () -> ()
    %dma_start3A_45 = arith.constant 0 : i32
    %dma_start3A_46 = arith.constant 0 : i32
    %dma_start3A_47 = tpu.memref_slice %arg2[%dma_start3A_45, %dma_start3A_46] : memref<8192x256xf32, #tpu.memory_space<hbm>> -> memref<8192x256xf32, #tpu.memory_space<hbm>>
    tpu.enqueue_indirect_dma source(%dma_start3A_47 : memref<8192x256xf32, #tpu.memory_space<hbm>>) target(%arg9 : memref<128x256xf32, #tpu.memory_space<vmem>>) offsets(%arg8 : memref<128xi32, #tpu.memory_space<vmem>>) semaphore(%arg15 : memref<!tpu.dma_semaphore, #tpu.memory_space<semaphore_mem>>)
    %dma_wait3A_48 = arith.constant 0 : i32
    %dma_wait3A_49 = arith.constant 0 : i32
    %dma_wait3A_50 = tpu.memref_slice %arg2[%dma_wait3A_48, %dma_wait3A_49] : memref<8192x256xf32, #tpu.memory_space<hbm>> -> memref<8192x256xf32, #tpu.memory_space<hbm>>
    tpu.wait_indirect_dma semaphore(%arg15 : memref<!tpu.dma_semaphore, #tpu.memory_space<semaphore_mem>>) src(%dma_wait3A_50 : memref<8192x256xf32, #tpu.memory_space<hbm>>) dst(%arg9 : memref<128x256xf32, #tpu.memory_space<vmem>>)
    "tpu.region"() ({
      %run_scoped3A = tpu.sem_alloc : memref<!tpu.dma_semaphore, #tpu.memory_space<semaphore_mem>>
      %dma_start3A_112 = arith.constant 0 : i32
      %dma_start3A_113 = tpu.memref_slice %arg4[%add3A_44, %dma_start3A_112] : memref<16384x256xf32, #tpu.memory_space<hbm>> -> memref<128x256xf32, #tpu.memory_space<hbm>>
      %dma_start3A_114 = arith.constant 0 : i32
      %dma_start3A_115 = tpu.memref_slice %arg4[%add3A_44, %dma_start3A_114] : memref<16384x256xf32, #tpu.memory_space<hbm>> -> memref<128x256xf32, #tpu.memory_space<hbm>>
      tpu.enqueue_dma source(%dma_start3A_115 : memref<128x256xf32, #tpu.memory_space<hbm>>) target(%arg10 : memref<128x256xf32, #tpu.memory_space<vmem>>) target_semaphore(%run_scoped3A : memref<!tpu.dma_semaphore, #tpu.memory_space<semaphore_mem>>)
      %dma_wait3A_116 = arith.constant 0 : i32
      %dma_wait3A_117 = tpu.memref_slice %arg4[%add3A_44, %dma_wait3A_116] : memref<16384x256xf32, #tpu.memory_space<hbm>> -> memref<128x256xf32, #tpu.memory_space<hbm>>
      %dma_wait3A_118 = arith.constant 0 : i32
      %dma_wait3A_119 = tpu.memref_slice %arg4[%add3A_44, %dma_wait3A_118] : memref<16384x256xf32, #tpu.memory_space<hbm>> -> memref<128x256xf32, #tpu.memory_space<hbm>>
      tpu.wait_dma2 semaphore(%run_scoped3A : memref<!tpu.dma_semaphore, #tpu.memory_space<semaphore_mem>>) src(%dma_wait3A_119 : memref<128x256xf32, #tpu.memory_space<hbm>>) dst(%arg10 : memref<128x256xf32, #tpu.memory_space<vmem>>)
      tpu.yield
    }) : () -> ()
    "tpu.region"() ({
      %run_scoped3A = tpu.sem_alloc : memref<!tpu.dma_semaphore, #tpu.memory_space<semaphore_mem>>
      %dma_start3A_112 = arith.constant 0 : i32
      %dma_start3A_113 = tpu.memref_slice %arg5[%add3A_44, %dma_start3A_112] : memref<16384x256xf32, #tpu.memory_space<hbm>> -> memref<128x256xf32, #tpu.memory_space<hbm>>
      %dma_start3A_114 = arith.constant 0 : i32
      %dma_start3A_115 = tpu.memref_slice %arg5[%add3A_44, %dma_start3A_114] : memref<16384x256xf32, #tpu.memory_space<hbm>> -> memref<128x256xf32, #tpu.memory_space<hbm>>
      tpu.enqueue_dma source(%arg9 : memref<128x256xf32, #tpu.memory_space<vmem>>) target(%dma_start3A_115 : memref<128x256xf32, #tpu.memory_space<hbm>>) target_semaphore(%run_scoped3A : memref<!tpu.dma_semaphore, #tpu.memory_space<semaphore_mem>>)
      %dma_wait3A_116 = arith.constant 0 : i32
      %dma_wait3A_117 = tpu.memref_slice %arg5[%add3A_44, %dma_wait3A_116] : memref<16384x256xf32, #tpu.memory_space<hbm>> -> memref<128x256xf32, #tpu.memory_space<hbm>>
      %dma_wait3A_118 = arith.constant 0 : i32
      %dma_wait3A_119 = tpu.memref_slice %arg5[%add3A_44, %dma_wait3A_118] : memref<16384x256xf32, #tpu.memory_space<hbm>> -> memref<128x256xf32, #tpu.memory_space<hbm>>
      tpu.wait_dma2 semaphore(%run_scoped3A : memref<!tpu.dma_semaphore, #tpu.memory_space<semaphore_mem>>) src(%arg9 : memref<128x256xf32, #tpu.memory_space<vmem>>) dst(%dma_wait3A_119 : memref<128x256xf32, #tpu.memory_space<hbm>>)
      tpu.yield
    }) : () -> ()
    %scan3A_51 = arith.constant 0 : i32
    %scan3A_52 = arith.constant 2048 : i32
    %scan3A_53 = arith.addi %scan3A_51, %scan3A_52 : i32
    %scan3A_54 = arith.constant 1 : i32
    %scan3A_55 = scf.for %scan3A_112 = %scan3A_51 to %scan3A_53 step %scan3A_54 iter_args(%scan3A_113 = %scan3A_41) -> (vector<16xf32>)  : i32 {
      %jit3A = arith.constant 16 : i32
      %div3A = arith.divsi %scan3A_112, %jit3A : i32
      %sign3A = arith.constant 0 : i32
      %sign3A_114 = arith.cmpi sgt, %scan3A_112, %sign3A : i32
      %sign3A_115 = arith.extui %sign3A_114 : i1 to i32
      %sign3A_116 = arith.constant 0 : i32
      %sign3A_117 = arith.cmpi slt, %scan3A_112, %sign3A_116 : i32
      %sign3A_118 = arith.extui %sign3A_117 : i1 to i32
      %sign3A_119 = arith.subi %sign3A_115, %sign3A_118 : i32
      %sign3A_120 = arith.constant 0 : i32
      %sign3A_121 = arith.cmpi sgt, %jit3A, %sign3A_120 : i32
      %sign3A_122 = arith.extui %sign3A_121 : i1 to i32
      %sign3A_123 = arith.constant 0 : i32
      %sign3A_124 = arith.cmpi slt, %jit3A, %sign3A_123 : i32
      %sign3A_125 = arith.extui %sign3A_124 : i1 to i32
      %sign3A_126 = arith.subi %sign3A_122, %sign3A_125 : i32
      %ne3A = arith.cmpi ne, %sign3A_119, %sign3A_126 : i32
      %rem3A = arith.remsi %scan3A_112, %jit3A : i32
      %ne3A_127 = arith.constant 0 : i32
      %ne3A_128 = arith.cmpi ne, %rem3A, %ne3A_127 : i32
      %and3A = arith.andi %ne3A, %ne3A_128 : i1
      %sub3A = arith.constant 1 : i32
      %sub3A_129 = arith.subi %div3A, %sub3A : i32
      %select_n3A = arith.select %and3A, %sub3A_129, %div3A : i32
      %jit3A_130 = arith.constant 16 : i32
      %eq3A = arith.constant 0 : i32
      %eq3A_131 = arith.cmpi eq, %jit3A_130, %eq3A : i32
      %jit3A_132 = arith.constant 1 : i32
      %select_n3A_133 = arith.select %eq3A_131, %jit3A_132, %jit3A_130 : i32
      %rem3A_134 = arith.remsi %scan3A_112, %select_n3A_133 : i32
      %ne3A_135 = arith.constant 0 : i32
      %ne3A_136 = arith.cmpi ne, %rem3A_134, %ne3A_135 : i32
      %lt3A = arith.constant 0 : i32
      %lt3A_137 = arith.cmpi slt, %rem3A_134, %lt3A : i32
      %lt3A_138 = arith.constant 0 : i32
      %lt3A_139 = arith.cmpi slt, %select_n3A_133, %lt3A_138 : i32
      %ne3A_140 = arith.xori %lt3A_137, %lt3A_139 : i1
      %and3A_141 = arith.andi %ne3A_140, %ne3A_136 : i1
      %add3A_142 = arith.addi %rem3A_134, %select_n3A_133 : i32
      %select_n3A_143 = arith.select %and3A_141, %add3A_142, %rem3A_134 : i32
      %mul3A_144 = arith.constant 16 : i32
      %mul3A_145 = arith.muli %select_n3A_143, %mul3A_144 : i32
      %get3A = arith.index_cast %select_n3A : i32 to index
      %get3A_146 = arith.index_cast %mul3A_145 : i32 to index
      %get3A_147 = tpu.vector_load %arg9[%get3A, %get3A_146] {strides = array<i32>} : memref<128x256xf32, #tpu.memory_space<vmem>>, vector<16xf32>,
      %mul3A_148 = arith.constant 16 : i32
      %mul3A_149 = arith.muli %select_n3A_143, %mul3A_148 : i32
      %get3A_150 = arith.index_cast %select_n3A : i32 to index
      %get3A_151 = arith.index_cast %mul3A_149 : i32 to index
      %get3A_152 = tpu.vector_load %arg10[%get3A_150, %get3A_151] {strides = array<i32>} : memref<128x256xf32, #tpu.memory_space<vmem>>, vector<16xf32>,
      %sub3A_153 = arith.subf %get3A_147, %get3A_152 : vector<16xf32>
      %mul3A_154 = arith.mulf %sub3A_153, %sub3A_153 : vector<16xf32>
      %add3A_155 = arith.addf %scan3A_113, %mul3A_154 : vector<16xf32>
      scf.yield %add3A_155 : vector<16xf32>
    }
    %scan3A_56 = arith.constant 2048 : i32
    %swap3A = arith.constant 0 : index
    %swap3A_57 = tpu.vector_load %arg13[%swap3A] {strides = array<i32>} : memref<16xf32, #tpu.memory_space<vmem>>, vector<16xf32>,
    tpu.vector_store %arg13[%swap3A], %scan3A_55 {strides = array<i32>} : memref<16xf32, #tpu.memory_space<vmem>>, vector<16xf32>,
    "tpu.region"() ({
      %run_scoped3A = tpu.sem_alloc : memref<!tpu.dma_semaphore, #tpu.memory_space<semaphore_mem>>
      %dma_start3A_112 = arith.constant 0 : i32
      %dma_start3A_113 = tpu.memref_slice %arg6[%add3A, %dma_start3A_112] : memref<32x16xf32, #tpu.memory_space<hbm>> -> memref<1x16xf32, #tpu.memory_space<hbm>>
      %dma_start3A_114 = tpu.memref_squeeze %dma_start3A_113 : memref<1x16xf32, #tpu.memory_space<hbm>> -> memref<16xf32, #tpu.memory_space<hbm>>
      %dma_start3A_115 = arith.constant 0 : i32
      %dma_start3A_116 = tpu.memref_slice %arg6[%add3A, %dma_start3A_115] : memref<32x16xf32, #tpu.memory_space<hbm>> -> memref<1x16xf32, #tpu.memory_space<hbm>>
      %dma_start3A_117 = tpu.memref_squeeze %dma_start3A_116 : memref<1x16xf32, #tpu.memory_space<hbm>> -> memref<16xf32, #tpu.memory_space<hbm>>
      tpu.enqueue_dma source(%arg13 : memref<16xf32, #tpu.memory_space<vmem>>) target(%dma_start3A_117 : memref<16xf32, #tpu.memory_space<hbm>>) target_semaphore(%run_scoped3A : memref<!tpu.dma_semaphore, #tpu.memory_space<semaphore_mem>>)
      %dma_wait3A_118 = arith.constant 0 : i32
      %dma_wait3A_119 = tpu.memref_slice %arg6[%add3A, %dma_wait3A_118] : memref<32x16xf32, #tpu.memory_space<hbm>> -> memref<1x16xf32, #tpu.memory_space<hbm>>
      %dma_wait3A_120 = tpu.memref_squeeze %dma_wait3A_119 : memref<1x16xf32, #tpu.memory_space<hbm>> -> memref<16xf32, #tpu.memory_space<hbm>>
      %dma_wait3A_121 = arith.constant 0 : i32
      %dma_wait3A_122 = tpu.memref_slice %arg6[%add3A, %dma_wait3A_121] : memref<32x16xf32, #tpu.memory_space<hbm>> -> memref<1x16xf32, #tpu.memory_space<hbm>>
      %dma_wait3A_123 = tpu.memref_squeeze %dma_wait3A_122 : memref<1x16xf32, #tpu.memory_space<hbm>> -> memref<16xf32, #tpu.memory_space<hbm>>
      tpu.wait_dma2 semaphore(%run_scoped3A : memref<!tpu.dma_semaphore, #tpu.memory_space<semaphore_mem>>) src(%arg13 : memref<16xf32, #tpu.memory_space<vmem>>) dst(%dma_wait3A_123 : memref<16xf32, #tpu.memory_space<hbm>>)
      tpu.yield
    }) : () -> ()
    "tpu.region"() ({
      %run_scoped3A = tpu.sem_alloc : memref<!tpu.dma_semaphore, #tpu.memory_space<semaphore_mem>>
      tpu.enqueue_dma source(%arg3 : memref<16384xi32, #tpu.memory_space<hbm>>) target(%arg12 : memref<16384xi32, #tpu.memory_space<vmem>>) target_semaphore(%run_scoped3A : memref<!tpu.dma_semaphore, #tpu.memory_space<semaphore_mem>>)
      tpu.wait_dma2 semaphore(%run_scoped3A : memref<!tpu.dma_semaphore, #tpu.memory_space<semaphore_mem>>) src(%arg3 : memref<16384xi32, #tpu.memory_space<hbm>>) dst(%arg12 : memref<16384xi32, #tpu.memory_space<vmem>>)
      tpu.yield
    }) : () -> ()
    %broadcast_in_dim3A_58 = arith.constant 0 : i32
    %broadcast_in_dim3A_59 = vector.broadcast %broadcast_in_dim3A_58 : i32 to vector<16xi32>
    %swap3A_60 = arith.constant 0 : index
    %swap3A_61 = tpu.vector_load %arg11[%swap3A_60] {strides = array<i32>} : memref<256xi32, #tpu.memory_space<vmem>>, vector<16xi32>,
    tpu.vector_store %arg11[%swap3A_60], %broadcast_in_dim3A_59 {strides = array<i32>} : memref<256xi32, #tpu.memory_space<vmem>>, vector<16xi32>,
    %swap3A_62 = arith.constant 16 : index
    %swap3A_63 = tpu.vector_load %arg11[%swap3A_62] {strides = array<i32>} : memref<256xi32, #tpu.memory_space<vmem>>, vector<16xi32>,
    tpu.vector_store %arg11[%swap3A_62], %broadcast_in_dim3A_59 {strides = array<i32>} : memref<256xi32, #tpu.memory_space<vmem>>, vector<16xi32>,
    %swap3A_64 = arith.constant 32 : index
    %swap3A_65 = tpu.vector_load %arg11[%swap3A_64] {strides = array<i32>} : memref<256xi32, #tpu.memory_space<vmem>>, vector<16xi32>,
    tpu.vector_store %arg11[%swap3A_64], %broadcast_in_dim3A_59 {strides = array<i32>} : memref<256xi32, #tpu.memory_space<vmem>>, vector<16xi32>,
    %swap3A_66 = arith.constant 48 : index
    %swap3A_67 = tpu.vector_load %arg11[%swap3A_66] {strides = array<i32>} : memref<256xi32, #tpu.memory_space<vmem>>, vector<16xi32>,
    tpu.vector_store %arg11[%swap3A_66], %broadcast_in_dim3A_59 {strides = array<i32>} : memref<256xi32, #tpu.memory_space<vmem>>, vector<16xi32>,
    %swap3A_68 = arith.constant 64 : index
    %swap3A_69 = tpu.vector_load %arg11[%swap3A_68] {strides = array<i32>} : memref<256xi32, #tpu.memory_space<vmem>>, vector<16xi32>,
    tpu.vector_store %arg11[%swap3A_68], %broadcast_in_dim3A_59 {strides = array<i32>} : memref<256xi32, #tpu.memory_space<vmem>>, vector<16xi32>,
    %swap3A_70 = arith.constant 80 : index
    %swap3A_71 = tpu.vector_load %arg11[%swap3A_70] {strides = array<i32>} : memref<256xi32, #tpu.memory_space<vmem>>, vector<16xi32>,
    tpu.vector_store %arg11[%swap3A_70], %broadcast_in_dim3A_59 {strides = array<i32>} : memref<256xi32, #tpu.memory_space<vmem>>, vector<16xi32>,
    %swap3A_72 = arith.constant 96 : index
    %swap3A_73 = tpu.vector_load %arg11[%swap3A_72] {strides = array<i32>} : memref<256xi32, #tpu.memory_space<vmem>>, vector<16xi32>,
    tpu.vector_store %arg11[%swap3A_72], %broadcast_in_dim3A_59 {strides = array<i32>} : memref<256xi32, #tpu.memory_space<vmem>>, vector<16xi32>,
    %swap3A_74 = arith.constant 112 : index
    %swap3A_75 = tpu.vector_load %arg11[%swap3A_74] {strides = array<i32>} : memref<256xi32, #tpu.memory_space<vmem>>, vector<16xi32>,
    tpu.vector_store %arg11[%swap3A_74], %broadcast_in_dim3A_59 {strides = array<i32>} : memref<256xi32, #tpu.memory_space<vmem>>, vector<16xi32>,
    %swap3A_76 = arith.constant 128 : index
    %swap3A_77 = tpu.vector_load %arg11[%swap3A_76] {strides = array<i32>} : memref<256xi32, #tpu.memory_space<vmem>>, vector<16xi32>,
    tpu.vector_store %arg11[%swap3A_76], %broadcast_in_dim3A_59 {strides = array<i32>} : memref<256xi32, #tpu.memory_space<vmem>>, vector<16xi32>,
    %swap3A_78 = arith.constant 144 : index
    %swap3A_79 = tpu.vector_load %arg11[%swap3A_78] {strides = array<i32>} : memref<256xi32, #tpu.memory_space<vmem>>, vector<16xi32>,
    tpu.vector_store %arg11[%swap3A_78], %broadcast_in_dim3A_59 {strides = array<i32>} : memref<256xi32, #tpu.memory_space<vmem>>, vector<16xi32>,
    %swap3A_80 = arith.constant 160 : index
    %swap3A_81 = tpu.vector_load %arg11[%swap3A_80] {strides = array<i32>} : memref<256xi32, #tpu.memory_space<vmem>>, vector<16xi32>,
    tpu.vector_store %arg11[%swap3A_80], %broadcast_in_dim3A_59 {strides = array<i32>} : memref<256xi32, #tpu.memory_space<vmem>>, vector<16xi32>,
    %swap3A_82 = arith.constant 176 : index
    %swap3A_83 = tpu.vector_load %arg11[%swap3A_82] {strides = array<i32>} : memref<256xi32, #tpu.memory_space<vmem>>, vector<16xi32>,
    tpu.vector_store %arg11[%swap3A_82], %broadcast_in_dim3A_59 {strides = array<i32>} : memref<256xi32, #tpu.memory_space<vmem>>, vector<16xi32>,
    %swap3A_84 = arith.constant 192 : index
    %swap3A_85 = tpu.vector_load %arg11[%swap3A_84] {strides = array<i32>} : memref<256xi32, #tpu.memory_space<vmem>>, vector<16xi32>,
    tpu.vector_store %arg11[%swap3A_84], %broadcast_in_dim3A_59 {strides = array<i32>} : memref<256xi32, #tpu.memory_space<vmem>>, vector<16xi32>,
    %swap3A_86 = arith.constant 208 : index
    %swap3A_87 = tpu.vector_load %arg11[%swap3A_86] {strides = array<i32>} : memref<256xi32, #tpu.memory_space<vmem>>, vector<16xi32>,
    tpu.vector_store %arg11[%swap3A_86], %broadcast_in_dim3A_59 {strides = array<i32>} : memref<256xi32, #tpu.memory_space<vmem>>, vector<16xi32>,
    %swap3A_88 = arith.constant 224 : index
    %swap3A_89 = tpu.vector_load %arg11[%swap3A_88] {strides = array<i32>} : memref<256xi32, #tpu.memory_space<vmem>>, vector<16xi32>,
    tpu.vector_store %arg11[%swap3A_88], %broadcast_in_dim3A_59 {strides = array<i32>} : memref<256xi32, #tpu.memory_space<vmem>>, vector<16xi32>,
    %swap3A_90 = arith.constant 240 : index
    %swap3A_91 = tpu.vector_load %arg11[%swap3A_90] {strides = array<i32>} : memref<256xi32, #tpu.memory_space<vmem>>, vector<16xi32>,
    tpu.vector_store %arg11[%swap3A_90], %broadcast_in_dim3A_59 {strides = array<i32>} : memref<256xi32, #tpu.memory_space<vmem>>, vector<16xi32>,
    %mul3A_92 = arith.constant 256 : i32
    %mul3A_93 = arith.muli %add3A, %mul3A_92 : i32
    %broadcast_in_dim3A_94 = arith.constant 1 : i32
    %broadcast_in_dim3A_95 = vector.broadcast %broadcast_in_dim3A_94 : i32 to vector<16xi32>
    %scan3A_96 = arith.constant 0 : i32
    %scan3A_97 = arith.constant 0 : i32
    %scan3A_98 = arith.constant 1024 : i32
    %scan3A_99 = arith.addi %scan3A_97, %scan3A_98 : i32
    %scan3A_100 = arith.constant 1 : i32
    scf.for %scan3A_112 = %scan3A_97 to %scan3A_99 step %scan3A_100  : i32 {
      %mul3A_113 = arith.constant 16 : i32
      %mul3A_114 = arith.muli %scan3A_112, %mul3A_113 : i32
      %get3A = arith.index_cast %mul3A_114 : i32 to index
      %get3A_115 = tpu.vector_load %arg12[%get3A] {strides = array<i32>} : memref<16384xi32, #tpu.memory_space<vmem>>, vector<16xi32>,
      %sub3A = vector.broadcast %mul3A_93 : i32 to vector<16xi32>
      %sub3A_116 = arith.subi %get3A_115, %sub3A : vector<16xi32>
      %ge3A = arith.constant 0 : i32
      %ge3A_117 = vector.broadcast %ge3A : i32 to vector<16xi32>
      %ge3A_118 = arith.cmpi sge, %sub3A_116, %ge3A_117 : vector<16xi32>
      %lt3A = arith.constant 256 : i32
      %lt3A_119 = vector.broadcast %lt3A : i32 to vector<16xi32>
      %lt3A_120 = arith.cmpi slt, %sub3A_116, %lt3A_119 : vector<16xi32>
      %and3A = arith.andi %ge3A_118, %lt3A_120 : vector<16xi1>
      %jit3A = arith.constant 0 : i32
      %jit3A_121 = arith.constant 255 : i32
      %max3A = vector.broadcast %jit3A : i32 to vector<16xi32>
      %max3A_122 = arith.maxsi %max3A, %sub3A_116 : vector<16xi32>
      %min3A = vector.broadcast %jit3A_121 : i32 to vector<16xi32>
      %min3A_123 = arith.minsi %min3A, %max3A_122 : vector<16xi32>
      tpu.vector_store_idx %arg11[%min3A_123], %broadcast_in_dim3A_95 masked %and3A : memref<256xi32, #tpu.memory_space<vmem>>[vector<16xi32>], vector<16xi32>, vector<16xi1>
    }
    %scan3A_101 = arith.constant 1024 : i32
    %broadcast_in_dim3A_102 = arith.constant 0 : i32
    %broadcast_in_dim3A_103 = vector.broadcast %broadcast_in_dim3A_102 : i32 to vector<16xi32>
    %scan3A_104 = arith.constant 0 : i32
    %scan3A_105 = arith.constant 16 : i32
    %scan3A_106 = arith.addi %scan3A_104, %scan3A_105 : i32
    %scan3A_107 = arith.constant 1 : i32
    %scan3A_108 = scf.for %scan3A_112 = %scan3A_104 to %scan3A_106 step %scan3A_107 iter_args(%scan3A_113 = %broadcast_in_dim3A_103) -> (vector<16xi32>)  : i32 {
      %mul3A_114 = arith.constant 16 : i32
      %mul3A_115 = arith.muli %scan3A_112, %mul3A_114 : i32
      %get3A = arith.index_cast %mul3A_115 : i32 to index
      %get3A_116 = tpu.vector_load %arg11[%get3A] {strides = array<i32>} : memref<256xi32, #tpu.memory_space<vmem>>, vector<16xi32>,
      %add3A_117 = arith.addi %scan3A_113, %get3A_116 : vector<16xi32>
      scf.yield %add3A_117 : vector<16xi32>
    }
    %scan3A_109 = arith.constant 16 : i32
    %swap3A_110 = arith.constant 0 : index
    %swap3A_111 = tpu.vector_load %arg14[%swap3A_110] {strides = array<i32>} : memref<16xi32, #tpu.memory_space<vmem>>, vector<16xi32>,
    tpu.vector_store %arg14[%swap3A_110], %scan3A_108 {strides = array<i32>} : memref<16xi32, #tpu.memory_space<vmem>>, vector<16xi32>,
    "tpu.region"() ({
      %run_scoped3A = tpu.sem_alloc : memref<!tpu.dma_semaphore, #tpu.memory_space<semaphore_mem>>
      %dma_start3A_112 = arith.constant 0 : i32
      %dma_start3A_113 = tpu.memref_slice %arg7[%add3A, %dma_start3A_112] : memref<32x16xi32, #tpu.memory_space<hbm>> -> memref<1x16xi32, #tpu.memory_space<hbm>>
      %dma_start3A_114 = tpu.memref_squeeze %dma_start3A_113 : memref<1x16xi32, #tpu.memory_space<hbm>> -> memref<16xi32, #tpu.memory_space<hbm>>
      %dma_start3A_115 = arith.constant 0 : i32
      %dma_start3A_116 = tpu.memref_slice %arg7[%add3A, %dma_start3A_115] : memref<32x16xi32, #tpu.memory_space<hbm>> -> memref<1x16xi32, #tpu.memory_space<hbm>>
      %dma_start3A_117 = tpu.memref_squeeze %dma_start3A_116 : memref<1x16xi32, #tpu.memory_space<hbm>> -> memref<16xi32, #tpu.memory_space<hbm>>
      tpu.enqueue_dma source(%arg14 : memref<16xi32, #tpu.memory_space<vmem>>) target(%dma_start3A_117 : memref<16xi32, #tpu.memory_space<hbm>>) target_semaphore(%run_scoped3A : memref<!tpu.dma_semaphore, #tpu.memory_space<semaphore_mem>>)
      %dma_wait3A_118 = arith.constant 0 : i32
      %dma_wait3A_119 = tpu.memref_slice %arg7[%add3A, %dma_wait3A_118] : memref<32x16xi32, #tpu.memory_space<hbm>> -> memref<1x16xi32, #tpu.memory_space<hbm>>
      %dma_wait3A_120 = tpu.memref_squeeze %dma_wait3A_119 : memref<1x16xi32, #tpu.memory_space<hbm>> -> memref<16xi32, #tpu.memory_space<hbm>>
      %dma_wait3A_121 = arith.constant 0 : i32
      %dma_wait3A_122 = tpu.memref_slice %arg7[%add3A, %dma_wait3A_121] : memref<32x16xi32, #tpu.memory_space<hbm>> -> memref<1x16xi32, #tpu.memory_space<hbm>>
      %dma_wait3A_123 = tpu.memref_squeeze %dma_wait3A_122 : memref<1x16xi32, #tpu.memory_space<hbm>> -> memref<16xi32, #tpu.memory_space<hbm>>
      tpu.wait_dma2 semaphore(%run_scoped3A : memref<!tpu.dma_semaphore, #tpu.memory_space<semaphore_mem>>) src(%arg14 : memref<16xi32, #tpu.memory_space<vmem>>) dst(%dma_wait3A_123 : memref<16xi32, #tpu.memory_space<hbm>>)
      tpu.yield
    }) : () -> ()
    return
  }
}

module attributes {stable_mosaic.version = 14 : i64} {
  func.func @_argmin_body(%arg0: i32, %arg1: i32, %arg2: memref<512x256xf32, #tpu.memory_space<vmem>>, %arg3: memref<4096x256xf32, #tpu.memory_space<vmem>>, %arg4: memref<512x1xf32, #tpu.memory_space<vmem>>, %arg5: memref<1x4096xf32, #tpu.memory_space<vmem>>, %arg6: memref<512x1xi32, #tpu.memory_space<vmem>>, %arg7: memref<16384x1xf32, #tpu.memory_space<vmem>>, %arg8: memref<16384x1xi32, #tpu.memory_space<vmem>>) attributes {dimension_semantics = [#tpu.dimension_semantics<arbitrary>, #tpu.dimension_semantics<arbitrary>], iteration_bounds = array<i64: 2, 32>, scalar_prefetch = 0 : i64, scratch_operands = 2 : i64, tpu.core_type = #tpu.core_type<tc>, window_params = [{transform_indices = @transform_0, window_bounds = array<i64: 512, 256>}, {transform_indices = @transform_1, window_bounds = array<i64: 4096, 256>}, {transform_indices = @transform_2, window_bounds = array<i64: 512, 1>}, {transform_indices = @transform_3, window_bounds = array<i64: 1, 4096>}, {transform_indices = @transform_4, window_bounds = array<i64: 512, 1>}]} {
    %get3A = arith.constant 0 : index
    %get3A_0 = arith.constant 0 : index
    %get3A_1 = vector.load %arg2[%get3A, %get3A_0] : memref<512x256xf32, #tpu.memory_space<vmem>>, vector<512x256xf32>
    %get3A_2 = arith.constant 0 : index
    %get3A_3 = arith.constant 0 : index
    %get3A_4 = vector.load %arg3[%get3A_2, %get3A_3] : memref<4096x256xf32, #tpu.memory_space<vmem>>, vector<4096x256xf32>
    %convert_element_type3A = arith.truncf %get3A_1 : vector<512x256xf32> to vector<512x256xbf16>
    %convert_element_type3A_5 = arith.truncf %get3A_4 : vector<4096x256xf32> to vector<4096x256xbf16>
    %dot_general3A = arith.constant dense<0.000000e+00> : vector<512x4096xf32>
    %dot_general3A_6 = tpu.matmul %convert_element_type3A, %convert_element_type3A_5, %dot_general3A {dimension_numbers = #tpu.dot_dimension_numbers<[1], [1], [0], [0], [0, 0, 1, 0], [], []>, transpose_lhs_hint = false} : vector<512x256xbf16>, vector<4096x256xbf16>, vector<512x4096xf32> -> vector<512x4096xf32>
    %get3A_7 = arith.constant 0 : index
    %get3A_8 = arith.constant 0 : index
    %get3A_9 = vector.load %arg4[%get3A_7, %get3A_8] : memref<512x1xf32, #tpu.memory_space<vmem>>, vector<512x1xf32>
    %get3A_10 = arith.constant 0 : index
    %get3A_11 = arith.constant 0 : index
    %get3A_12 = vector.load %arg5[%get3A_10, %get3A_11] : memref<1x4096xf32, #tpu.memory_space<vmem>>, vector<1x4096xf32>
    %add3A = vector.broadcast %get3A_9 : vector<512x1xf32> to vector<512x4096xf32>
    %add3A_13 = vector.broadcast %get3A_12 : vector<1x4096xf32> to vector<512x4096xf32>
    %add3A_14 = arith.addf %add3A, %add3A_13 : vector<512x4096xf32>
    %mul3A = arith.constant 2.000000e+00 : f32
    %mul3A_15 = vector.broadcast %mul3A : f32 to vector<512x4096xf32>
    %mul3A_16 = arith.mulf %mul3A_15, %dot_general3A_6 : vector<512x4096xf32>
    %sub3A = arith.subf %add3A_14, %mul3A_16 : vector<512x4096xf32>
    %reduce_min3A = arith.constant dense<0x7F800000> : vector<512xf32>
    %reduce_min3A_17 = vector.multi_reduction <minimumf>, %sub3A, %reduce_min3A [1] : vector<512x4096xf32> to vector<512xf32>
    %broadcast_in_dim3A = vector.shape_cast %reduce_min3A_17 : vector<512xf32> to vector<512x1xf32>
    %iota3A = tpu.iota {dimensions = array<i32: 1>} : vector<512x4096xi32>
    %mul3A_18 = arith.constant 4096 : i32
    %mul3A_19 = arith.muli %arg0, %mul3A_18 : i32
    %add3A_20 = vector.broadcast %mul3A_19 : i32 to vector<512x4096xi32>
    %add3A_21 = arith.addi %iota3A, %add3A_20 : vector<512x4096xi32>
    %eq3A = vector.broadcast %broadcast_in_dim3A : vector<512x1xf32> to vector<512x4096xf32>
    %eq3A_22 = arith.cmpf oeq, %sub3A, %eq3A : vector<512x4096xf32>
    %jit3A = arith.constant 1073741824 : i32
    %broadcast_in_dim3A_23 = vector.broadcast %jit3A : i32 to vector<512x4096xi32>
    %select_n3A = arith.select %eq3A_22, %add3A_21, %broadcast_in_dim3A_23 : vector<512x4096xi1>, vector<512x4096xi32>
    %reduce_min3A_24 = arith.constant dense<2147483647> : vector<512xi32>
    %reduce_min3A_25 = vector.multi_reduction <minsi>, %select_n3A, %reduce_min3A_24 [1] : vector<512x4096xi32> to vector<512xi32>
    %broadcast_in_dim3A_26 = vector.shape_cast %reduce_min3A_25 : vector<512xi32> to vector<512x1xi32>
    %mul3A_27 = arith.constant 512 : i32
    %mul3A_28 = arith.muli %arg1, %mul3A_27 : i32
    %eq3A_29 = arith.constant 0 : i32
    %eq3A_30 = arith.cmpi eq, %arg0, %eq3A_29 : i32
    %convert_element_type3A_31 = arith.extui %eq3A_30 : i1 to i32
    %cond3A = arith.constant 0 : i32
    %cond3A_32 = arith.cmpi ne, %convert_element_type3A_31, %cond3A : i32
    scf.if %cond3A_32 {
      %swap3A_42 = arith.index_cast %mul3A_28 : i32 to index
      %swap3A_43 = arith.constant 0 : index
      %swap3A_44 = vector.load %arg7[%swap3A_42, %swap3A_43] : memref<16384x1xf32, #tpu.memory_space<vmem>>, vector<512x1xf32>
      tpu.vector_store %arg7[%swap3A_42, %swap3A_43], %broadcast_in_dim3A {strides = array<i32>} : memref<16384x1xf32, #tpu.memory_space<vmem>>, vector<512x1xf32>,
      %swap3A_45 = arith.index_cast %mul3A_28 : i32 to index
      %swap3A_46 = arith.constant 0 : index
      %swap3A_47 = vector.load %arg8[%swap3A_45, %swap3A_46] : memref<16384x1xi32, #tpu.memory_space<vmem>>, vector<512x1xi32>
      tpu.vector_store %arg8[%swap3A_45, %swap3A_46], %broadcast_in_dim3A_26 {strides = array<i32>} : memref<16384x1xi32, #tpu.memory_space<vmem>>, vector<512x1xi32>,
    } else {
    }
    %gt3A = arith.constant 0 : i32
    %gt3A_33 = arith.cmpi sgt, %arg0, %gt3A : i32
    %convert_element_type3A_34 = arith.extui %gt3A_33 : i1 to i32
    %cond3A_35 = arith.constant 0 : i32
    %cond3A_36 = arith.cmpi ne, %convert_element_type3A_34, %cond3A_35 : i32
    scf.if %cond3A_36 {
      %get3A_42 = arith.index_cast %mul3A_28 : i32 to index
      %get3A_43 = arith.constant 0 : index
      %get3A_44 = vector.load %arg7[%get3A_42, %get3A_43] : memref<16384x1xf32, #tpu.memory_space<vmem>>, vector<512x1xf32>
      %get3A_45 = arith.index_cast %mul3A_28 : i32 to index
      %get3A_46 = arith.constant 0 : index
      %get3A_47 = vector.load %arg8[%get3A_45, %get3A_46] : memref<16384x1xi32, #tpu.memory_space<vmem>>, vector<512x1xi32>
      %lt3A = arith.cmpf olt, %broadcast_in_dim3A, %get3A_44 : vector<512x1xf32>
      %select_n3A_48 = arith.select %lt3A, %broadcast_in_dim3A, %get3A_44 : vector<512x1xi1>, vector<512x1xf32>
      %swap3A_49 = arith.index_cast %mul3A_28 : i32 to index
      %swap3A_50 = arith.constant 0 : index
      %swap3A_51 = vector.load %arg7[%swap3A_49, %swap3A_50] : memref<16384x1xf32, #tpu.memory_space<vmem>>, vector<512x1xf32>
      tpu.vector_store %arg7[%swap3A_49, %swap3A_50], %select_n3A_48 {strides = array<i32>} : memref<16384x1xf32, #tpu.memory_space<vmem>>, vector<512x1xf32>,
      %select_n3A_52 = arith.select %lt3A, %broadcast_in_dim3A_26, %get3A_47 : vector<512x1xi1>, vector<512x1xi32>
      %swap3A_53 = arith.index_cast %mul3A_28 : i32 to index
      %swap3A_54 = arith.constant 0 : index
      %swap3A_55 = vector.load %arg8[%swap3A_53, %swap3A_54] : memref<16384x1xi32, #tpu.memory_space<vmem>>, vector<512x1xi32>
      tpu.vector_store %arg8[%swap3A_53, %swap3A_54], %select_n3A_52 {strides = array<i32>} : memref<16384x1xi32, #tpu.memory_space<vmem>>, vector<512x1xi32>,
    } else {
    }
    %get3A_37 = arith.index_cast %mul3A_28 : i32 to index
    %get3A_38 = arith.constant 0 : index
    %get3A_39 = vector.load %arg8[%get3A_37, %get3A_38] : memref<16384x1xi32, #tpu.memory_space<vmem>>, vector<512x1xi32>
    %swap3A = arith.constant 0 : index
    %swap3A_40 = arith.constant 0 : index
    %swap3A_41 = vector.load %arg6[%swap3A, %swap3A_40] : memref<512x1xi32, #tpu.memory_space<vmem>>, vector<512x1xi32>
    tpu.vector_store %arg6[%swap3A, %swap3A_40], %get3A_39 {strides = array<i32>} : memref<512x1xi32, #tpu.memory_space<vmem>>, vector<512x1xi32>,
    return
  }
  func.func @transform_0(%arg0: i32, %arg1: i32) -> (i32, i32) {
    %c0_i32 = arith.constant 0 : i32
    %c0_i32_0 = arith.constant 0 : i32
    return %arg1, %c0_i32 : i32, i32
  }
  func.func @transform_1(%arg0: i32, %arg1: i32) -> (i32, i32) {
    %c0_i32 = arith.constant 0 : i32
    %c0_i32_0 = arith.constant 0 : i32
    return %arg0, %c0_i32 : i32, i32
  }
  func.func @transform_2(%arg0: i32, %arg1: i32) -> (i32, i32) {
    %c0_i32 = arith.constant 0 : i32
    %c0_i32_0 = arith.constant 0 : i32
    return %arg1, %c0_i32 : i32, i32
  }
  func.func @transform_3(%arg0: i32, %arg1: i32) -> (i32, i32) {
    %c0_i32 = arith.constant 0 : i32
    %c0_i32_0 = arith.constant 0 : i32
    return %c0_i32, %arg0 : i32, i32
  }
  func.func @transform_4(%arg0: i32, %arg1: i32) -> (i32, i32) {
    %c0_i32 = arith.constant 0 : i32
    %c0_i32_0 = arith.constant 0 : i32
    return %arg1, %c0_i32 : i32, i32
  }
}

module attributes {stable_mosaic.version = 14 : i64} {
  func.func @_finalize_body(%arg0: memref<32x16xf32, #tpu.memory_space<vmem>>, %arg1: memref<32x16xi32, #tpu.memory_space<vmem>>, %arg2: memref<1x1xf32, #tpu.memory_space<vmem>>, %arg3: memref<1x1xf32, #tpu.memory_space<vmem>>) attributes {dimension_semantics = [], scalar_prefetch = 0 : i64, scratch_operands = 0 : i64, tpu.core_type = #tpu.core_type<tc>} {
    %get3A = arith.constant 0 : index
    %get3A_0 = arith.constant 0 : index
    %get3A_1 = vector.load %arg0[%get3A, %get3A_0] : memref<32x16xf32, #tpu.memory_space<vmem>>, vector<32x16xf32>
    %get3A_2 = arith.constant 0 : index
    %get3A_3 = arith.constant 0 : index
    %get3A_4 = vector.load %arg1[%get3A_2, %get3A_3] : memref<32x16xi32, #tpu.memory_space<vmem>>, vector<32x16xi32>
    %reduce_sum3A = vector.shape_cast %get3A_1 : vector<32x16xf32> to vector<1x32x16xf32>
    %reduce_sum3A_5 = arith.constant dense<0.000000e+00> : vector<1xf32>
    %reduce_sum3A_6 = vector.multi_reduction <add>, %reduce_sum3A, %reduce_sum3A_5 [1, 2] : vector<1x32x16xf32> to vector<1xf32>
    %reduce_sum3A_7 = vector.shape_cast %reduce_sum3A_6 : vector<1xf32> to vector<1x1x1xf32>
    %reduce_sum3A_8 = vector.extract %reduce_sum3A_7[0, 0, 0] : f32 from vector<1x1x1xf32>
    %div3A = arith.constant 0x4A800000 : f32
    %div3A_9 = arith.divf %reduce_sum3A_8, %div3A : f32
    %broadcast_in_dim3A = vector.broadcast %div3A_9 : f32 to vector<1x1xf32>
    %swap3A = arith.constant 0 : index
    %swap3A_10 = arith.constant 0 : index
    %swap3A_11 = vector.load %arg2[%swap3A, %swap3A_10] : memref<1x1xf32, #tpu.memory_space<vmem>>, vector<1x1xf32>
    tpu.vector_store %arg2[%swap3A, %swap3A_10], %broadcast_in_dim3A {strides = array<i32>} : memref<1x1xf32, #tpu.memory_space<vmem>>, vector<1x1xf32>,
    %reduce_sum3A_12 = vector.shape_cast %get3A_4 : vector<32x16xi32> to vector<1x32x16xi32>
    %reduce_sum3A_13 = arith.constant dense<0> : vector<1xi32>
    %reduce_sum3A_14 = vector.multi_reduction <add>, %reduce_sum3A_12, %reduce_sum3A_13 [1, 2] : vector<1x32x16xi32> to vector<1xi32>
    %reduce_sum3A_15 = vector.shape_cast %reduce_sum3A_14 : vector<1xi32> to vector<1x1x1xi32>
    %reduce_sum3A_16 = vector.extract %reduce_sum3A_15[0, 0, 0] : i32 from vector<1x1x1xi32>
    %convert_element_type3A = arith.sitofp %reduce_sum3A_16 : i32 to f32
    %broadcast_in_dim3A_17 = vector.broadcast %convert_element_type3A : f32 to vector<1x1xf32>
    %swap3A_18 = arith.constant 0 : index
    %swap3A_19 = arith.constant 0 : index
    %swap3A_20 = vector.load %arg3[%swap3A_18, %swap3A_19] : memref<1x1xf32, #tpu.memory_space<vmem>>, vector<1x1xf32>
    tpu.vector_store %arg3[%swap3A_18, %swap3A_19], %broadcast_in_dim3A_17 {strides = array<i32>} : memref<1x1xf32, #tpu.memory_space<vmem>>, vector<1x1xf32>,
    return
  }
}

</mosaic_0001>

<sc_bundles>
// kernel: kernel.5.cloned.1.call-start
scs
__scs_entry_jumppad:
0x0: {  	(pc) =	sbr.rel $0x88, $3  }
0x1: {  	(tag) =	ssettag $0x0;
	lr =	simm.s32 $0x1  }
0x2: {  	[smem:$0x3F9F] =	sst lr;
	_ =	strace $0xD0000000  }
0x3: {  	_ = 	snop  }
0x4: {  	_ = 	snop  }
0x5: {  	_ = 	snop  }
0x6: {  	_ = 	snop  }
0x7: {  	_ = 	snop  }
__scs_overlays_trampoline_lowered:
0x8: {  	[smem:$0x3FAE] =	sst s0  }
0x9: {  	[smem:$0x3FAF] =	sst s1  }
0xa: {  	[smem:$0x3FB0] =	sst s2  }
0xb: {  	[smem:$0x3FB1] =	sst s3  }
0xc: {  	[smem:$0x3FB2] =	sst s4  }
0xd: {  	[smem:$0x3FB3] =	sst s5  }
0xe: {  	[smem:$0x3FB4] =	sst s6  }
0xf: {  	[smem:$0x3FB5] =	sst s7  }
0x10: {  	[smem:$0x3FB6] =	sst s8  }
0x11: {  	[smem:$0x3FB7] =	sst s9;
	s0 =	simm.s32 @!p0 $0x0  }
0x12: {  	s1 =	sld [smem:$0x3F9D];
	s0 =	simm.s32 @p0 $0x1  }
0x13: {  	[smem:$0x3FB8] =	sst s0;
	s0 =	simm.s32 @!p1 $0x0  }
0x14: {  	s2 =	sld [smem:$0x3F9C];
	s0 =	simm.s32 @p1 $0x1  }
0x15: {  	[smem:$0x3FB9] =	sst s0;
	s0 =	simm.s32 @!p2 $0x0  }
0x16: {  	s3 =	sld [smem:$0x3FDB];
	s0 =	simm.s32 @p2 $0x1  }
0x17: {  	s4 =	simm.s32 $0x1BF5;
	[smem:$0x3FBB] =	sst s0  }
0x18: {  	s0 =	sld [smem:$0x3F9E];
	_ =	swait.ge [sflag:s4], $0x0  }
0x19: {  	s7 =	sld [smem:$0x3F9F]  }
0x1a: {  	s8 =	sadd.s32 $0xFFFFE003, lr  }
0x1b: {  	s9 =	sadd.s32 $0xFFFFFEF7, lr;
	s5 =	simm.s32 $0xFFFFFFFF;
	p2 =	slt.u32 s8, $0xFFFFF086  }
0x1c: {  	p1 =	slt.u32 s9, $0xF7A;
	s5 =	simm.s32 @!p2 $0x0  }
0x1d: {  	s5 =	simm.s32 @p1 $0x1;
	p0 =	seq.s32 s7, s2  }
0x1e: {  	s7 =	smul.u32 @!p0 $0xF7A, s2;
	p2 =	seq.s32 @!p0 s5, $0x0  }
0x1f: {  	s9 =	smul.u32 $0xF7A, s1;
	s8 =	simm.s32 @!p0 $0x1BF5;
	p2 =	por !p2, p0  }
0x20: {  	[sflag:s8] =	ssyncset.s32 @!p0 $0xFFFFF086;
	s6 =	sadd.s32 @!p0 s3, s7;
	s7 =	simm.s32 @!p0 $0x108  }
0x21: {  	s3 =	sadd.s32 s3, s9;
	s6 =	sadd.s32 @!p0 $0x88, s6;
	s7 =	simm.s32 @p2 $0x1082  }
0x22: {  	[simem:s7], [sflag:s8] =	dma.local @!p0 [hbm:s6], $0xF7A  }
0x23: {  	s9 =	sor.u32 $0xD0000000, s2;
	s6 =	simm.s32 $0x108;
	_ =	swait.ge @!p0 [sflag:s8], $0x0  }
0x24: {  	s3 =	sadd.s32 $0x88, s3;
	s6 =	simm.s32 @!p1 $0x1082;
	[sflag:s4] =	ssyncset.s32 $0xFFFFF086  }
0x25: {  	[simem:s6], [sflag:s4] =	dma.local [hbm:s3], $0xF7A  }
0x26: {  	[smem:$0x3F9F] =	sst s1;
	(tag) =	ssettag s2;
	_ =	strace s9  }
0x27: {  	s1 =	sld [smem:$0x3FAF]  }
0x28: {  	s2 =	sld [smem:$0x3FB0]  }
0x29: {  	s4 =	sld [smem:$0x3FB2]  }
0x2a: {  	p0 =	seq.s32 s5, $0x0;
	s5 =	sld [smem:$0x3FB3]  }
0x2b: {  	s6 =	sld [smem:$0x3FB4]  }
0x2c: {  	s7 =	sld [smem:$0x3FB5]  }
0x2d: {  	s3 =	simm.s32 $0x108;
	s8 =	sld [smem:$0x3FB6]  }
0x2e: {  	s3 =	simm.s32 @!p0 $0x1082;
	s9 =	sld [smem:$0x3FB7]  }
0x2f: {  	lr =	sadd.s32 s0, s3;
	s0 =	sld [smem:$0x3FAE]  }
0x30: {  	s3 =	sld [smem:$0x3FB1]  }
0x31: {  	[smem:$0x3FBA] =	sst s10  }
0x32: {  	s10 =	sld [smem:$0x3FB8];
	_ =	sdelay $0x3  }
0x33: {  	p0 =	seq.s32 s10, $0x1;
	s10 =	sld [smem:$0x3FBA];
	_ =	sdelay $0x3  }
0x34: {  	[smem:$0x3FBA] =	sst s10  }
0x35: {  	s10 =	sld [smem:$0x3FB9];
	_ =	sdelay $0x3  }
0x36: {  	p1 =	seq.s32 s10, $0x1;
	s10 =	sld [smem:$0x3FBA];
	_ =	sdelay $0x3  }
0x37: {  	[smem:$0x3FBA] =	sst s10  }
0x38: {  	s10 =	sld [smem:$0x3FBB]  }
0x39: {  	_ = 	snop;
	(pc) =	sbr.ind lr, $3  }
0x3a: {  	_ = 	snop  }
0x3b: {  	_ = 	snop  }
0x3c: {  	p2 =	seq.s32 s10, $0x1;
	s10 =	sld [smem:$0x3FBA]  }
0x3d: {  	_ =	shalt  }
0x3e: {  	_ =	shalt  }
0x3f: {  	_ =	shalt  }
0x40: {  	_ =	shalt  }
0x41: {  	_ =	shalt  }
0x42: {  	_ =	shalt  }
0x43: {  	_ =	shalt  }
0x44: {  	_ =	shalt  }
0x45: {  	_ =	shalt  }
0x46: {  	_ =	shalt  }
0x47: {  	_ =	shalt  }
0x48: {  	_ =	shalt  }
0x49: {  	_ =	shalt  }
0x4a: {  	_ =	shalt  }
0x4b: {  	_ =	shalt  }
0x4c: {  	_ =	shalt  }
0x4d: {  	_ =	shalt  }
0x4e: {  	_ =	shalt  }
0x4f: {  	_ =	shalt  }
0x50: {  	_ =	shalt  }
0x51: {  	_ =	shalt  }
0x52: {  	_ =	shalt  }
0x53: {  	_ =	shalt  }
0x54: {  	_ =	shalt  }
0x55: {  	_ =	shalt  }
0x56: {  	_ =	shalt  }
0x57: {  	_ =	shalt  }
0x58: {  	_ =	shalt  }
0x59: {  	_ =	shalt  }
0x5a: {  	_ =	shalt  }
0x5b: {  	_ =	shalt  }
0x5c: {  	_ =	shalt  }
0x5d: {  	_ =	shalt  }
0x5e: {  	_ =	shalt  }
0x5f: {  	_ =	shalt  }
0x60: {  	_ =	shalt  }
0x61: {  	_ =	shalt  }
0x62: {  	_ =	shalt  }
0x63: {  	_ =	shalt  }
0x64: {  	_ =	shalt  }
0x65: {  	_ =	shalt  }
0x66: {  	_ =	shalt  }
0x67: {  	_ =	shalt  }
0x68: {  	_ =	shalt  }
0x69: {  	_ =	shalt  }
0x6a: {  	_ =	shalt  }
0x6b: {  	_ =	shalt  }
0x6c: {  	_ =	shalt  }
0x6d: {  	_ =	shalt  }
0x6e: {  	_ =	shalt  }
0x6f: {  	_ =	shalt  }
0x70: {  	_ =	shalt  }
0x71: {  	_ =	shalt  }
0x72: {  	_ =	shalt  }
0x73: {  	_ =	shalt  }
0x74: {  	_ =	shalt  }
0x75: {  	_ =	shalt  }
0x76: {  	_ =	shalt  }
0x77: {  	_ =	shalt  }
0x78: {  	_ =	shalt  }
0x79: {  	_ =	shalt  }
0x7a: {  	_ =	shalt  }
0x7b: {  	_ =	shalt  }
0x7c: {  	_ =	shalt  }
0x7d: {  	_ =	shalt  }
0x7e: {  	_ =	shalt  }
0x7f: {  	_ =	shalt  }
0x80: {  	_ =	shalt  }
0x81: {  	_ =	shalt  }
0x82: {  	_ =	shalt  }
0x83: {  	_ =	shalt  }
0x84: {  	_ =	shalt  }
0x85: {  	_ =	shalt  }
0x86: {  	_ =	shalt  }
0x87: {  	_ =	shalt  }
.Lfunc_end0:
.L_simem_size_0:
called_computation_lowered:
.L_overlay_start_0:
0x88: {  	s2 =	sld [smem:$0x3FD9]  }
0x89: {  	s3 =	sld [smem:$0x3FFE];
	_ =	sdelay $0x1  }
0x8a: {  	s1 =	srdreg.scid  }
0x8b: {  	s0 =	sand.u32 $0x1, s1  }
0x8c: {  	s14 =	sshll.u32 s0, $0xA;
	s2 =	sadd.s32 s3, s2  }
0x8d: {  	s2 =	sadd.s32 s2, s14  }
0x8e: {  	[smem:$0x3FC6] =	sst s2  }
0x8f: {  	_ = 	snop  }
0x90: {  	s2 =	sld [smem:$0x3FD0];
	_ =	sdelay $0x1  }
0x91: {  	s15 =	sld [smem:$0x3FC9]  }
0x92: {  	s5 =	simm.s32 $0xA;
	s6 =	simm.s32 $0x10;
	s4 =	sld [smem:$0x3FC8]  }
0x93: {  	[smem:s6], [sflag:s5] =	dma.local [hbm:s2], $0x1  }
0x94: {  	_ =	swait.eq [sflag:s5], $0x1  }
0x95: {  	[sflag:s5] =	ssyncset.done $0x0  }
0x96: {  	[sflag:s5] =	ssyncadd.s32 $0xFFFFFFFF  }
0x97: {  	s16 =	sld [smem:$0x10];
	(tm) =	ssettm $0x1  }
0x98: {  	s17 =	sld [smem:$0x3FFB];
	_ =	sdelay $0x3  }
0x99: {  	_ =	strace s17  }
0x9a: {  	s5 =	sld [smem:$0x3FFC];
	_ =	sdelay $0x3  }
0x9b: {  	_ =	strace s5  }
0x9c: {  	s5 =	sld [smem:$0x3FFD];
	_ =	sdelay $0x3  }
0x9d: {  	_ =	strace s5  }
0x9e: {  	_ =	strace $0x8FFFFFFF  }
0x9f: {  	s18 =	sld [smem:$0x3FDB];
	_ =	sdelay $0x1  }
0xa0: {  	s19 =	simm.s32 $_scs_section_size  }
0xa1: {  	s7 =	simm.s32 $_size__tile_overlayer_lowered;
	s8 =	simm.s32 $_tile_overlayer_lowered  }
0xa2: {  	s22 =	simm.s32 $0x1BFF;
	s21 =	sshll.u32 s8, $0x1;
	s5 =	sadd.s32 s19, s18  }
0xa3: {  	s9 =	simm.s32 $0x0;
	s20 =	sshll.u32 s7, $0x1;
	s7 =	sadd.s32 s21, s5  }
0xa4: {  	[timem:s9], [sflag:s22] =	dma.local [hbm:s7], s20  }
0xa5: {  	_ =	swait.ge [sflag:s22], s20  }
0xa6: {  	s6 =	ssub.s32 $0x0, s20;
	[sflag:s22] =	ssyncset.done $0x0  }
0xa7: {  	[sflag:s22] =	ssyncadd.s32 s6;
	_ =	sdelay $0x1  }
0xa8: {  	s23 =	simm.s32 $0x1B8B  }
0xa9: {  	_ =	swait.ge [sflag:s23], $0x1  }
0xaa: {  	[sflag:s23] =	ssyncset.done $0x0  }
0xab: {  	s25 =	simm.s32 $0x1B8E;
	s24 =	sld [smem:$0x3FFE];
	[sflag:s23] =	ssyncadd.s32 $0xFFFFFFFF  }
0xac: {  	s26 =	simm.s32 $execute0_lowered;
	[smem:$0x3FD2] =	sst s25  }
0xad: {  	s7 =	sshll.u32 s26, $0x1;
	_ =	strace $0x80000046;
	[dreg:$0x1] =	wrdreg $0xFFFFFFFF  }
0xae: {  	s28 =	simm.s32 $_size_execute0_lowered;
	s5 =	sadd.s32 s5, s7;
	[dreg:$0x0] =	wrdreg $0x0  }
0xaf: {  	s7 =	sshll.u32 s28, $0x1;
	[dreg:$0x2] =	wrdreg s5  }
0xb0: {  	[dreg:$0x3] =	wrdreg s7  }
0xb1: {  	[dreg:$0x4] =	wrdreg $0xC0  }
0xb2: {  	_ =	task [dreg:s9], $0x5FFFF  }
0xb3: {  	[dreg:$0x1] =	wrdreg $0xFFFFFFFF  }
0xb4: {  	[dreg:$0x0] =	wrdreg $0x60  }
0xb5: {  	[dreg:$0x2] =	wrdreg s4  }
0xb6: {  	[dreg:$0x3] =	wrdreg s24  }
0xb7: {  	[dreg:$0x4] =	wrdreg s15  }
0xb8: {  	[dreg:$0x5] =	wrdreg s16  }
0xb9: {  	[dreg:$0x6] =	wrdreg $0x9  }
0xba: {  	_ =	task.clear_ibuf [dreg:s9], $0x7FFFF;
	_ =	strace $0x90000046  }
0xbb: {  	s29 =	simm.s32 $0x9;
	_ =	strace $0x80000048  }
0xbc: {  	_ =	swait.ge [sflag:s29], $0x1  }
0xbd: {  	[sflag:s29] =	ssyncadd.s32 $0xFFFFFFFF  }
0xbe: {  	_ =	strace $0x90000048  }
0xbf: {  	_ =	sfence  }
0xc0: {  	s30 =	sld [smem:$0x0];
	_ =	sdelay $0x2  }
0xc1: {  	s31 =	sshll.u32 s1, $0xD;
	s1 =	sshrl.u32 s1, $0x2  }
0xc2: {  	s3 =	sand.u32 $0x4000, s31;
	s1 =	sadd.s32 s1, s30  }
0xc3: {  	s0 =	sor.u32 s3, s0;
	s1 =	sshll.u32 s1, $0x11  }
0xc4: {  	s0 =	sor.u32 s1, s0  }
0xc5: {  	s0 =	sadd.s32 $0x8F2B, s0  }
0xc6: {  	[sflag:s0] =	ssyncadd.remote.s32 $0x1  }
0xc7: {  	_ =	sfence.sel $0xFFFF  }
0xc8: {  	[dreg:$0x0] =	wrdreg $0xFFFFFFFF;
	(pc) =	sbr.abs _section_cstart, $3  }
0xc9: {  	[dreg:$0x1] =	wrdreg $0xFFFFFFFF  }
0xca: {  	_ =	task.clear_ibuf [dreg:s9], $0x2FFFF;
	_ =	strace $0x9FFFFFFF  }
0xcb: {  	(tm) =	ssettm $0x7FFFFFFF  }
tec
execute0_lowered:
.L_overlay_start_1:
0x0: {  	(tag) =	ssettag $0x1  }
0x1: {  	s1 =	rddreg [dreg:$0x0]  }
0x2: {  	s0 =	rddreg [dreg:$0x1]  }
0x3: {  	s2 =	rddreg [dreg:$0x2]  }
0x4: {  	s5 =	rddreg [dreg:$0x3]  }
0x5: {  	s3 =	simm.s32 $0x0;
	s4 =	srdreg.scid;
	s6 =	stileid.u32  }
0x6: {  	s20 =	simm.s32 $0x2;
	s21 =	simm.s32 $0x80;
	s28 =	simm.s32 $0x3080  }
0x7: {  	s29 =	simm.s32 $0x3880;
	s30 =	simm.s32 $0x4080;
	s31 =	simm.s32 $0x4880  }
0x8: {  	[smem:$0x7FF] =	sst s3;
	s4 =	sand.u32 $0x1, s4;
	s6 =	sshll.u32 s6, $0x1  }
0x9: {  	_ =	strace $0x80000047;
	s6 =	sor.u32 s4, s6;
	s7 =	ssub.s32 $0x2, s4  }
0xa: {  	s4 =	sadd.s32 $0x200, s0;
	s8 =	sshll.u32 s6, $0x4;
	s9 =	sshrl.u32 s7, $0x1  }
0xb: {  	s22 =	sshll.u32 s6, $0x9;
	s23 =	sshll.u32 s6, $0x6;
	s10 =	sshll.u32 s6, $0xE  }
0xc: {  	s19 =	sshll.u32 s6, $0x8;
	s6 =	simm.s32 $0x6880;
	s0 =	sadd.s32 s8, s0  }
0xd: {  	s7 =	ssub.s32 s7, s9;
	s11 =	sor.u32 $0x80, s22;
	s9 =	sadd.s32 s4, s23  }
0xe: {  	s24 =	sadd.s32 s2, s10;
	s10 =	sadd.s32 s5, s10;
	s12 =	sor.u32 $0x100, s22  }
0xf: {  	s8 =	sor.u32 $0x180, s22;
	s22 =	simm.s32 $0x880;
	[dreg:$0x5] =	wrdreg s9  }
0x10: {  	s23 =	simm.s32 $0x1080;
	[dreg:$0x6] =	wrdreg s24;
	s25 =	sshrl.u32 s11, $0x3  }
0x11: {  	[dreg:$0x7] =	wrdreg s10;
	s26 =	sshll.u32 s11, $0x5;
	s18 =	sadd.s32 $0xA00, s0  }
0x12: {  	s13 =	sshrl.u32 s12, $0x3;
	s0 =	sadd.s32 $0xC00, s0;
	[dreg:$0x11] =	wrdreg s18  }
0x13: {  	s15 =	sshrl.u32 s8, $0x3;
	s9 =	sadd.s32 s4, s25;
	[dreg:$0x12] =	wrdreg s0  }
0x14: {  	s8 =	sshll.u32 s8, $0x5;
	s11 =	sadd.s32 s2, s26;
	[dreg:$0x8] =	wrdreg s9  }
0x15: {  	s24 =	simm.s32 $0x1880;
	s10 =	sadd.s32 s4, s13;
	[dreg:$0x9] =	wrdreg s11  }
0x16: {  	s16 =	sadd.s32 s4, s15;
	s17 =	sadd.s32 s5, s8;
	[dreg:$0xb] =	wrdreg s10  }
0x17: {  	s25 =	simm.s32 $0x2080;
	s0 =	simm.s32 $0x5080;
	[dreg:$0xe] =	wrdreg s16  }
0x18: {  	s9 =	sadd.s32 s5, s26;
	[dreg:$0x10] =	wrdreg s17;
	s26 =	smax.u32 s7, $0x1  }
0x19: {  	s7 =	simm.s32 $0x7080;
	s10 =	simm.s32 $0x8080;
	[dreg:$0xa] =	wrdreg s9  }
0x1a: {  	s11 =	simm.s32 $0x10080;
	s9 =	sshll.u32 s12, $0x5;
	[dreg:$0x13] =	wrdreg s26  }
0x1b: {  	s26 =	simm.s32 $0x2880;
	s12 =	simm.s32 $0x0;
	s14 =	sadd.s32 s2, s9  }
0x1c: {  	v3 =	vlaneseq.u32;
	vm0 =	vmmov $0xffff;
	v4 =	vimm.s32 $0x0;
	s9 =	sadd.s32 s5, s9;
	s2 =	sadd.s32 s2, s8;
	[dreg:$0xc] =	wrdreg s14  }
0x1d: {  	v5 =	vimm.s32 $0x1;
	v2 =	vshrl.u32 v3, $0x3;
	v1 =	vand.u32 $0x7, v3;
	s5 =	simm.s32 $0x6080;
	s8 =	simm.s32 $0x7880;
	[dreg:$0xd] =	wrdreg s9  }
0x1e: {  	v3 =	vor.u32 $0x8, v3;
	v2 =	vmul.u32 $0x8, v2;
	v0 =	vmov s19;
	[dreg:$0xf] =	wrdreg s2;
	s2 =	simm.s32 $0x5880;
	s9 =	simm.s32 $0x1  }
.LBB2_1:
0x1f: {  	s13 =	rddreg [dreg:$0x5]  }
0x20: {  	[tilespmem:s3], [sflag:$0x2] =	stream.linear.gather [hbm4b:s13+s3], $0x80, $0x38;
	[tilespmem:$0x14280] =	vst v63  }
0x21: {  	_ =	swait.ge [sflag:s20], $0x80  }
0x22: {  	[sflag:s20] =	ssyncset.done $0x0  }
0x23: {  	[sflag:s20] =	ssyncadd.s32 $0xFFFFFF80  }
0x24: {  	v6 =	vld [tilespmem:$0x0];
	_ =	sdelay $0x4  }
0x25: {  	v7 =	vshll.u32 v6, $0x1  }
0x26: {  	v6 =	vand.u32 $0x7, v6;
	v7 =	vand.u32 $0xFFFFFFF0, v7  }
0x27: {  	v6 =	vor.u32 v6, v7  }
0x28: {  	v7 =	vperm.xlane v6, v1;
	_ =	sdelay $0x1  }
0x29: {  	v6 =	vperm.xlane v6, v3;
	v7 =	vadd.s32 v2, v7;
	_ =	sdelay $0x1  }
0x2a: {  	v6 =	vadd.s32 v2, v6;
	_ =	sdelay $0x2  }
0x2b: {  	[tilespmem:s21], [sflag:$0x1] =	stream.indirect_vreg.gather [hbm4b:s1+s3], $0x80, v7, vm0, $0xb8;
	[tilespmem:$0x14280] =	vst v63  }
0x2c: {  	_ = 	snop  }
0x2d: {  	[tilespmem:s22], [sflag:$0x1] =	stream.indirect_vreg.gather [hbm4b:s1+s3], $0x80, v6, vm0, $0xb8;
	[tilespmem:$0x14280] =	vst v63  }
0x2e: {  	v6 =	vld [tilespmem:$0x10];
	_ =	sdelay $0x4  }
0x2f: {  	v7 =	vshll.u32 v6, $0x1  }
0x30: {  	v6 =	vand.u32 $0x7, v6;
	v7 =	vand.u32 $0xFFFFFFF0, v7  }
0x31: {  	v6 =	vor.u32 v6, v7  }
0x32: {  	v7 =	vperm.xlane v6, v1;
	_ =	sdelay $0x1  }
0x33: {  	v6 =	vperm.xlane v6, v3;
	v7 =	vadd.s32 v2, v7;
	_ =	sdelay $0x1  }
0x34: {  	v6 =	vadd.s32 v2, v6;
	_ =	sdelay $0x2  }
0x35: {  	[tilespmem:s23], [sflag:$0x1] =	stream.indirect_vreg.gather [hbm4b:s1+s3], $0x80, v7, vm0, $0xb8;
	[tilespmem:$0x14280] =	vst v63  }
0x36: {  	_ = 	snop  }
0x37: {  	[tilespmem:s24], [sflag:$0x1] =	stream.indirect_vreg.gather [hbm4b:s1+s3], $0x80, v6, vm0, $0xb8;
	[tilespmem:$0x14280] =	vst v63  }
0x38: {  	v6 =	vld [tilespmem:$0x20];
	_ =	sdelay $0x4  }
0x39: {  	v7 =	vshll.u32 v6, $0x1  }
0x3a: {  	v6 =	vand.u32 $0x7, v6;
	v7 =	vand.u32 $0xFFFFFFF0, v7  }
0x3b: {  	v6 =	vor.u32 v6, v7  }
0x3c: {  	v7 =	vperm.xlane v6, v1;
	_ =	sdelay $0x1  }
0x3d: {  	v6 =	vperm.xlane v6, v3;
	v7 =	vadd.s32 v2, v7;
	_ =	sdelay $0x1  }
0x3e: {  	v6 =	vadd.s32 v2, v6;
	_ =	sdelay $0x2  }
0x3f: {  	[tilespmem:s25], [sflag:$0x1] =	stream.indirect_vreg.gather [hbm4b:s1+s3], $0x80, v7, vm0, $0xb8;
	[tilespmem:$0x14280] =	vst v63  }
0x40: {  	_ = 	snop  }
0x41: {  	[tilespmem:s26], [sflag:$0x1] =	stream.indirect_vreg.gather [hbm4b:s1+s3], $0x80, v6, vm0, $0xb8;
	[tilespmem:$0x14280] =	vst v63  }
0x42: {  	v6 =	vld [tilespmem:$0x30];
	_ =	sdelay $0x4  }
0x43: {  	v7 =	vshll.u32 v6, $0x1  }
0x44: {  	v6 =	vand.u32 $0x7, v6;
	v7 =	vand.u32 $0xFFFFFFF0, v7  }
0x45: {  	v6 =	vor.u32 v6, v7  }
0x46: {  	v7 =	vperm.xlane v6, v1;
	_ =	sdelay $0x1  }
0x47: {  	v6 =	vperm.xlane v6, v3;
	v7 =	vadd.s32 v2, v7;
	_ =	sdelay $0x1  }
0x48: {  	v6 =	vadd.s32 v2, v6;
	_ =	sdelay $0x2  }
0x49: {  	[tilespmem:s28], [sflag:$0x1] =	stream.indirect_vreg.gather [hbm4b:s1+s3], $0x80, v7, vm0, $0xb8;
	[tilespmem:$0x14280] =	vst v63  }
0x4a: {  	_ = 	snop  }
0x4b: {  	[tilespmem:s29], [sflag:$0x1] =	stream.indirect_vreg.gather [hbm4b:s1+s3], $0x80, v6, vm0, $0xb8;
	[tilespmem:$0x14280] =	vst v63  }
0x4c: {  	v6 =	vld [tilespmem:$0x40];
	_ =	sdelay $0x4  }
0x4d: {  	v7 =	vshll.u32 v6, $0x1  }
0x4e: {  	v6 =	vand.u32 $0x7, v6;
	v7 =	vand.u32 $0xFFFFFFF0, v7  }
0x4f: {  	v6 =	vor.u32 v6, v7  }
0x50: {  	v7 =	vperm.xlane v6, v1;
	_ =	sdelay $0x1  }
0x51: {  	v6 =	vperm.xlane v6, v3;
	v7 =	vadd.s32 v2, v7;
	_ =	sdelay $0x1  }
0x52: {  	v6 =	vadd.s32 v2, v6;
	_ =	sdelay $0x2  }
0x53: {  	[tilespmem:s30], [sflag:$0x1] =	stream.indirect_vreg.gather [hbm4b:s1+s3], $0x80, v7, vm0, $0xb8;
	[tilespmem:$0x14280] =	vst v63  }
0x54: {  	_ = 	snop  }
0x55: {  	[tilespmem:s31], [sflag:$0x1] =	stream.indirect_vreg.gather [hbm4b:s1+s3], $0x80, v6, vm0, $0xb8;
	[tilespmem:$0x14280] =	vst v63  }
0x56: {  	v6 =	vld [tilespmem:$0x50];
	_ =	sdelay $0x4  }
0x57: {  	v7 =	vshll.u32 v6, $0x1  }
0x58: {  	v6 =	vand.u32 $0x7, v6;
	v7 =	vand.u32 $0xFFFFFFF0, v7  }
0x59: {  	v6 =	vor.u32 v6, v7  }
0x5a: {  	v7 =	vperm.xlane v6, v1;
	_ =	sdelay $0x1  }
0x5b: {  	v6 =	vperm.xlane v6, v3;
	v7 =	vadd.s32 v2, v7;
	_ =	sdelay $0x1  }
0x5c: {  	v6 =	vadd.s32 v2, v6;
	_ =	sdelay $0x2  }
0x5d: {  	[tilespmem:s0], [sflag:$0x1] =	stream.indirect_vreg.gather [hbm4b:s1+s3], $0x80, v7, vm0, $0xb8;
	[tilespmem:$0x14280] =	vst v63  }
0x5e: {  	_ = 	snop  }
0x5f: {  	[tilespmem:s2], [sflag:$0x1] =	stream.indirect_vreg.gather [hbm4b:s1+s3], $0x80, v6, vm0, $0xb8;
	[tilespmem:$0x14280] =	vst v63  }
0x60: {  	v6 =	vld [tilespmem:$0x60];
	_ =	sdelay $0x4  }
0x61: {  	v7 =	vshll.u32 v6, $0x1  }
0x62: {  	v6 =	vand.u32 $0x7, v6;
	v7 =	vand.u32 $0xFFFFFFF0, v7  }
0x63: {  	v6 =	vor.u32 v6, v7  }
0x64: {  	v7 =	vperm.xlane v6, v1;
	_ =	sdelay $0x1  }
0x65: {  	v6 =	vperm.xlane v6, v3;
	v7 =	vadd.s32 v2, v7;
	_ =	sdelay $0x1  }
0x66: {  	v6 =	vadd.s32 v2, v6;
	_ =	sdelay $0x2  }
0x67: {  	[tilespmem:s5], [sflag:$0x1] =	stream.indirect_vreg.gather [hbm4b:s1+s3], $0x80, v7, vm0, $0xb8;
	[tilespmem:$0x14280] =	vst v63  }
0x68: {  	_ = 	snop  }
0x69: {  	[tilespmem:s6], [sflag:$0x1] =	stream.indirect_vreg.gather [hbm4b:s1+s3], $0x80, v6, vm0, $0xb8;
	[tilespmem:$0x14280] =	vst v63  }
0x6a: {  	v6 =	vld [tilespmem:$0x70];
	_ =	sdelay $0x4  }
0x6b: {  	v7 =	vshll.u32 v6, $0x1  }
0x6c: {  	v6 =	vand.u32 $0x7, v6;
	v7 =	vand.u32 $0xFFFFFFF0, v7  }
0x6d: {  	v6 =	vor.u32 v6, v7  }
0x6e: {  	v7 =	vperm.xlane v6, v1;
	_ =	sdelay $0x1  }
0x6f: {  	v6 =	vperm.xlane v6, v3;
	v7 =	vadd.s32 v2, v7;
	_ =	sdelay $0x1  }
0x70: {  	v6 =	vadd.s32 v2, v6;
	_ =	sdelay $0x2  }
0x71: {  	[tilespmem:s7], [sflag:$0x1] =	stream.indirect_vreg.gather [hbm4b:s1+s3], $0x80, v7, vm0, $0xb8;
	[tilespmem:$0x14280] =	vst v63  }
0x72: {  	_ = 	snop  }
0x73: {  	[tilespmem:s8], [sflag:$0x1] =	stream.indirect_vreg.gather [hbm4b:s1+s3], $0x80, v6, vm0, $0xb8;
	[tilespmem:$0x14280] =	vst v63  }
0x74: {  	_ =	swait.ge [sflag:s9], $0x8000  }
0x75: {  	[sflag:s9] =	ssyncset.done $0x0  }
0x76: {  	s16 =	rddreg [dreg:$0x6];
	[sflag:s9] =	ssyncadd.s32 $0xFFFF8000  }
0x77: {  	[tilespmem:s10], [sflag:$0x2] =	stream.linear.gather [hbm4b:s16+s3], $0x8000, $0x38;
	[tilespmem:$0x14280] =	vst v63  }
0x78: {  	s18 =	simm.s32 $0x0;
	_ =	swait.ge [sflag:s20], $0x8000  }
0x79: {  	s14 =	sand.u32 $0x70, s3;
	s15 =	sand.u32 $0x400, s3;
	[sflag:s20] =	ssyncset.done $0x0  }
0x7a: {  	s13 =	sand.u32 $0x7800, s18;
	s17 =	rddreg [dreg:$0x7];
	[sflag:s20] =	ssyncadd.s32 $0xFFFF8000  }
0x7b: {  	[hbm4b:s17+s3] =	stream.linear.scatter [tilespmem:s21], [sflag:$0x2], $0x8000, $0x38;
	[tilespmem:$0x14280] =	vst v63  }
0x7c: {  	s14 =	sor.u32 s15, s14;
	s16 =	simm.s32 $0x0;
	_ =	swait.ge [sflag:s20], $0x8000  }
0x7d: {  	s13 =	sor.u32 s13, s14;
	s19 =	sand.u32 $0x380, s16;
	[sflag:s20] =	ssyncset.done $0x0  }
0x7e: {  	s13 =	sor.u32 s19, s13;
	[sflag:s20] =	ssyncadd.s32 $0xFFFF8000  }
0x7f: {  	v8 =	vld [tilespmem:s13+$0x80]  }
0x80: {  	s16 =	simm.s32 $0x10;
	v9 =	vld [tilespmem:s13+$0x8080];
	s13 =	simm.s32 $0x80  }
0x81: {  	s14 =	sand.u32 $0x70, s16;
	s17 =	simm.s32 $0x10;
	s18 =	sand.u32 $0x400, s13  }
0x82: {  	s19 =	simm.s32 $0x8;
	s15 =	sand.u32 $0x7800, s17;
	s14 =	sor.u32 s18, s14  }
0x83: {  	s16 =	sand.u32 $0x380, s19;
	s14 =	sor.u32 s15, s14  }
0x84: {  	s16 =	sor.u32 s16, s14  }
0x85: {  	v6 =	vimm.f32 $0.0e+00;
	s15 =	simm.s32 $0x20;
	s14 =	simm.s32 $0x2;
	v7 =	vld [tilespmem:s16+$0x80];
	v8 =	vsub.f32 v8, v9  }
.LBB2_2:
0x86: {  	s17 =	sshll.u32 s14, $0x4;
	s18 =	sshll.u32 s14, $0x3  }
0x87: {  	v9 =	vld [tilespmem:s16+$0x8080];
	s13 =	sadd.s32 $0x80, s13;
	s16 =	sand.u32 $0x70, s15;
	p0 =	sne.s32 s14, $0x7FF  }
.Ltmp0:
0x88: {  	s17 =	sand.u32 $0x7800, s17;
	s19 =	sand.u32 $0x400, s13;
	v8 =	vmul.f32 v8, v8;
	(pc) =	sbr.rel @p0 .LBB2_2-.Ltmp0, $4  }
0x89: {  	s14 =	sadd.s32 $0x1, s14;
	s16 =	sor.u32 s19, s16  }
0x8a: {  	s18 =	sand.u32 $0x380, s18;
	s16 =	sor.u32 s17, s16;
	v6 =	vadd.f32 v8, v6  }
0x8b: {  	s16 =	sor.u32 s18, s16  }
0x8c: {  	s15 =	sadd.s32 $0x10, s15;
	v8 =	vsub.f32 v7, v9;
	v7 =	vld [tilespmem:s16+$0x80]  }
0x8d: {  	s13 =	simm.s32 $0x0;
	s14 =	rddreg [dreg:$0x8]  }
0x8e: {  	v9 =	vld [tilespmem:s16+$0x8080];
	[tilespmem:s13], [sflag:$0x2] =	stream.linear.gather [hbm4b:s14+s13], $0x80, $0x38  }
0x8f: {  	_ =	swait.ge [sflag:s20], $0x80  }
0x90: {  	[sflag:s20] =	ssyncset.done $0x0  }
0x91: {  	[sflag:s20] =	ssyncadd.s32 $0xFFFFFF80  }
0x92: {  	v10 =	vld [tilespmem:$0x0];
	_ =	sdelay $0x4  }
0x93: {  	v11 =	vshll.u32 v10, $0x1  }
0x94: {  	v10 =	vand.u32 $0x7, v10;
	v11 =	vand.u32 $0xFFFFFFF0, v11  }
0x95: {  	v10 =	vor.u32 v10, v11  }
0x96: {  	v11 =	vperm.xlane v10, v1;
	_ =	sdelay $0x1  }
0x97: {  	v10 =	vperm.xlane v10, v3;
	v11 =	vadd.s32 v2, v11;
	_ =	sdelay $0x1  }
0x98: {  	v10 =	vadd.s32 v2, v10;
	_ =	sdelay $0x2  }
0x99: {  	[tilespmem:s21], [sflag:$0x1] =	stream.indirect_vreg.gather [hbm4b:s1+s13], $0x80, v11, vm0, $0xb8;
	[tilespmem:$0x14280] =	vst v63  }
0x9a: {  	_ = 	snop  }
0x9b: {  	[tilespmem:s22], [sflag:$0x1] =	stream.indirect_vreg.gather [hbm4b:s1+s13], $0x80, v10, vm0, $0xb8;
	[tilespmem:$0x14280] =	vst v63  }
0x9c: {  	v10 =	vld [tilespmem:$0x10];
	_ =	sdelay $0x4  }
0x9d: {  	v11 =	vshll.u32 v10, $0x1  }
0x9e: {  	v10 =	vand.u32 $0x7, v10;
	v11 =	vand.u32 $0xFFFFFFF0, v11  }
0x9f: {  	v10 =	vor.u32 v10, v11  }
0xa0: {  	v11 =	vperm.xlane v10, v1;
	_ =	sdelay $0x1  }
0xa1: {  	v10 =	vperm.xlane v10, v3;
	v11 =	vadd.s32 v2, v11;
	_ =	sdelay $0x1  }
0xa2: {  	v10 =	vadd.s32 v2, v10;
	_ =	sdelay $0x2  }
0xa3: {  	[tilespmem:s23], [sflag:$0x1] =	stream.indirect_vreg.gather [hbm4b:s1+s13], $0x80, v11, vm0, $0xb8;
	[tilespmem:$0x14280] =	vst v63  }
0xa4: {  	_ = 	snop  }
0xa5: {  	[tilespmem:s24], [sflag:$0x1] =	stream.indirect_vreg.gather [hbm4b:s1+s13], $0x80, v10, vm0, $0xb8;
	[tilespmem:$0x14280] =	vst v63  }
0xa6: {  	v10 =	vld [tilespmem:$0x20];
	_ =	sdelay $0x4  }
0xa7: {  	v11 =	vshll.u32 v10, $0x1  }
0xa8: {  	v10 =	vand.u32 $0x7, v10;
	v11 =	vand.u32 $0xFFFFFFF0, v11  }
0xa9: {  	v10 =	vor.u32 v10, v11  }
0xaa: {  	v11 =	vperm.xlane v10, v1;
	_ =	sdelay $0x1  }
0xab: {  	v10 =	vperm.xlane v10, v3;
	v11 =	vadd.s32 v2, v11;
	_ =	sdelay $0x1  }
0xac: {  	v10 =	vadd.s32 v2, v10;
	_ =	sdelay $0x2  }
0xad: {  	[tilespmem:s25], [sflag:$0x1] =	stream.indirect_vreg.gather [hbm4b:s1+s13], $0x80, v11, vm0, $0xb8;
	[tilespmem:$0x14280] =	vst v63  }
0xae: {  	_ = 	snop  }
0xaf: {  	[tilespmem:s26], [sflag:$0x1] =	stream.indirect_vreg.gather [hbm4b:s1+s13], $0x80, v10, vm0, $0xb8;
	[tilespmem:$0x14280] =	vst v63  }
0xb0: {  	v10 =	vld [tilespmem:$0x30];
	_ =	sdelay $0x4  }
0xb1: {  	v11 =	vshll.u32 v10, $0x1  }
0xb2: {  	v10 =	vand.u32 $0x7, v10;
	v11 =	vand.u32 $0xFFFFFFF0, v11  }
0xb3: {  	v10 =	vor.u32 v10, v11  }
0xb4: {  	v11 =	vperm.xlane v10, v1;
	_ =	sdelay $0x1  }
0xb5: {  	v10 =	vperm.xlane v10, v3;
	v11 =	vadd.s32 v2, v11;
	_ =	sdelay $0x1  }
0xb6: {  	v10 =	vadd.s32 v2, v10;
	_ =	sdelay $0x2  }
0xb7: {  	[tilespmem:s28], [sflag:$0x1] =	stream.indirect_vreg.gather [hbm4b:s1+s13], $0x80, v11, vm0, $0xb8;
	[tilespmem:$0x14280] =	vst v63  }
0xb8: {  	_ = 	snop  }
0xb9: {  	[tilespmem:s29], [sflag:$0x1] =	stream.indirect_vreg.gather [hbm4b:s1+s13], $0x80, v10, vm0, $0xb8;
	[tilespmem:$0x14280] =	vst v63  }
0xba: {  	v10 =	vld [tilespmem:$0x40];
	_ =	sdelay $0x4  }
0xbb: {  	v11 =	vshll.u32 v10, $0x1  }
0xbc: {  	v10 =	vand.u32 $0x7, v10;
	v11 =	vand.u32 $0xFFFFFFF0, v11  }
0xbd: {  	v10 =	vor.u32 v10, v11  }
0xbe: {  	v11 =	vperm.xlane v10, v1;
	_ =	sdelay $0x1  }
0xbf: {  	v10 =	vperm.xlane v10, v3;
	v11 =	vadd.s32 v2, v11;
	_ =	sdelay $0x1  }
0xc0: {  	v10 =	vadd.s32 v2, v10;
	_ =	sdelay $0x2  }
0xc1: {  	[tilespmem:s30], [sflag:$0x1] =	stream.indirect_vreg.gather [hbm4b:s1+s13], $0x80, v11, vm0, $0xb8;
	[tilespmem:$0x14280] =	vst v63  }
0xc2: {  	_ = 	snop  }
0xc3: {  	[tilespmem:s31], [sflag:$0x1] =	stream.indirect_vreg.gather [hbm4b:s1+s13], $0x80, v10, vm0, $0xb8;
	[tilespmem:$0x14280] =	vst v63  }
0xc4: {  	v10 =	vld [tilespmem:$0x50];
	_ =	sdelay $0x4  }
0xc5: {  	v11 =	vshll.u32 v10, $0x1  }
0xc6: {  	v10 =	vand.u32 $0x7, v10;
	v11 =	vand.u32 $0xFFFFFFF0, v11  }
0xc7: {  	v10 =	vor.u32 v10, v11  }
0xc8: {  	v11 =	vperm.xlane v10, v1;
	_ =	sdelay $0x1  }
0xc9: {  	v10 =	vperm.xlane v10, v3;
	v11 =	vadd.s32 v2, v11;
	_ =	sdelay $0x1  }
0xca: {  	v10 =	vadd.s32 v2, v10;
	_ =	sdelay $0x2  }
0xcb: {  	[tilespmem:s0], [sflag:$0x1] =	stream.indirect_vreg.gather [hbm4b:s1+s13], $0x80, v11, vm0, $0xb8;
	[tilespmem:$0x14280] =	vst v63  }
0xcc: {  	_ = 	snop  }
0xcd: {  	[tilespmem:s2], [sflag:$0x1] =	stream.indirect_vreg.gather [hbm4b:s1+s13], $0x80, v10, vm0, $0xb8;
	[tilespmem:$0x14280] =	vst v63  }
0xce: {  	v10 =	vld [tilespmem:$0x60];
	_ =	sdelay $0x4  }
0xcf: {  	v11 =	vshll.u32 v10, $0x1  }
0xd0: {  	v10 =	vand.u32 $0x7, v10;
	v11 =	vand.u32 $0xFFFFFFF0, v11  }
0xd1: {  	v10 =	vor.u32 v10, v11  }
0xd2: {  	v11 =	vperm.xlane v10, v1;
	_ =	sdelay $0x1  }
0xd3: {  	v10 =	vperm.xlane v10, v3;
	v11 =	vadd.s32 v2, v11;
	_ =	sdelay $0x1  }
0xd4: {  	v10 =	vadd.s32 v2, v10;
	_ =	sdelay $0x2  }
0xd5: {  	[tilespmem:s5], [sflag:$0x1] =	stream.indirect_vreg.gather [hbm4b:s1+s13], $0x80, v11, vm0, $0xb8;
	[tilespmem:$0x14280] =	vst v63  }
0xd6: {  	_ = 	snop  }
0xd7: {  	[tilespmem:s6], [sflag:$0x1] =	stream.indirect_vreg.gather [hbm4b:s1+s13], $0x80, v10, vm0, $0xb8;
	[tilespmem:$0x14280] =	vst v63  }
0xd8: {  	v10 =	vld [tilespmem:$0x70];
	_ =	sdelay $0x4  }
0xd9: {  	v11 =	vshll.u32 v10, $0x1  }
0xda: {  	v10 =	vand.u32 $0x7, v10;
	v11 =	vand.u32 $0xFFFFFFF0, v11  }
0xdb: {  	v10 =	vor.u32 v10, v11  }
0xdc: {  	v11 =	vperm.xlane v10, v1;
	_ =	sdelay $0x1  }
0xdd: {  	v10 =	vperm.xlane v10, v3;
	v11 =	vadd.s32 v2, v11;
	_ =	sdelay $0x1  }
0xde: {  	v10 =	vadd.s32 v2, v10;
	_ =	sdelay $0x2  }
0xdf: {  	[tilespmem:s7], [sflag:$0x1] =	stream.indirect_vreg.gather [hbm4b:s1+s13], $0x80, v11, vm0, $0xb8;
	[tilespmem:$0x14280] =	vst v63  }
0xe0: {  	_ = 	snop  }
0xe1: {  	[tilespmem:s8], [sflag:$0x1] =	stream.indirect_vreg.gather [hbm4b:s1+s13], $0x80, v10, vm0, $0xb8;
	[tilespmem:$0x14280] =	vst v63  }
0xe2: {  	_ =	swait.ge [sflag:s9], $0x8000  }
0xe3: {  	[sflag:s9] =	ssyncset.done $0x0  }
0xe4: {  	s15 =	rddreg [dreg:$0x9];
	[sflag:s9] =	ssyncadd.s32 $0xFFFF8000  }
0xe5: {  	[tilespmem:s10], [sflag:$0x2] =	stream.linear.gather [hbm4b:s15+s13], $0x8000, $0x38;
	[tilespmem:$0x14280] =	vst v63  }
0xe6: {  	_ =	swait.ge [sflag:s20], $0x8000  }
0xe7: {  	[sflag:s20] =	ssyncset.done $0x0  }
0xe8: {  	s17 =	simm.s32 $0x0;
	s16 =	rddreg [dreg:$0xa];
	[sflag:s20] =	ssyncadd.s32 $0xFFFF8000  }
0xe9: {  	[hbm4b:s16+s13] =	stream.linear.scatter [tilespmem:s21], [sflag:$0x2], $0x8000, $0x38;
	[tilespmem:$0x14280] =	vst v63  }
0xea: {  	s18 =	simm.s32 $0x0;
	s15 =	sand.u32 $0x70, s13;
	s13 =	sand.u32 $0x400, s13  }
0xeb: {  	s14 =	sand.u32 $0x7800, s17;
	_ =	swait.ge [sflag:s20], $0x8000;
	s13 =	sor.u32 s13, s15  }
0xec: {  	s19 =	sand.u32 $0x380, s18;
	[sflag:s20] =	ssyncset.done $0x0;
	s13 =	sor.u32 s14, s13  }
0xed: {  	[sflag:s20] =	ssyncadd.s32 $0xFFFF8000;
	s13 =	sor.u32 s19, s13  }
0xee: {  	v10 =	vld [tilespmem:s13+$0x80]  }
0xef: {  	s16 =	simm.s32 $0x10;
	v11 =	vld [tilespmem:s13+$0x8080];
	s13 =	simm.s32 $0x80  }
0xf0: {  	v8 =	vmul.f32 v8, v8;
	s17 =	simm.s32 $0x10;
	v7 =	vsub.f32 v7, v9;
	s14 =	sand.u32 $0x70, s16;
	s18 =	sand.u32 $0x400, s13  }
0xf1: {  	s15 =	sand.u32 $0x7800, s17;
	s19 =	simm.s32 $0x8;
	s14 =	sor.u32 s18, s14  }
0xf2: {  	v6 =	vadd.f32 v8, v6;
	v7 =	vmul.f32 v7, v7;
	s16 =	sand.u32 $0x380, s19;
	s14 =	sor.u32 s15, s14  }
0xf3: {  	s16 =	sor.u32 s16, s14  }
0xf4: {  	v6 =	vadd.f32 v7, v6;
	s15 =	simm.s32 $0x20;
	s14 =	simm.s32 $0x2;
	v7 =	vld [tilespmem:s16+$0x80];
	v8 =	vsub.f32 v10, v11  }
.LBB2_4:
0xf5: {  	s17 =	sshll.u32 s14, $0x4;
	s18 =	sshll.u32 s14, $0x3  }
0xf6: {  	v9 =	vld [tilespmem:s16+$0x8080];
	s13 =	sadd.s32 $0x80, s13;
	s16 =	sand.u32 $0x70, s15;
	p0 =	sne.s32 s14, $0x7FF  }
.Ltmp1:
0xf7: {  	s17 =	sand.u32 $0x7800, s17;
	s19 =	sand.u32 $0x400, s13;
	v8 =	vmul.f32 v8, v8;
	(pc) =	sbr.rel @p0 .LBB2_4-.Ltmp1, $4  }
0xf8: {  	s14 =	sadd.s32 $0x1, s14;
	s16 =	sor.u32 s19, s16  }
0xf9: {  	s18 =	sand.u32 $0x380, s18;
	s16 =	sor.u32 s17, s16;
	v6 =	vadd.f32 v8, v6  }
0xfa: {  	s16 =	sor.u32 s18, s16  }
0xfb: {  	s15 =	sadd.s32 $0x10, s15;
	v8 =	vsub.f32 v7, v9;
	v7 =	vld [tilespmem:s16+$0x80]  }
0xfc: {  	s13 =	simm.s32 $0x0;
	s14 =	rddreg [dreg:$0xb]  }
0xfd: {  	v9 =	vld [tilespmem:s16+$0x8080];
	[tilespmem:s13], [sflag:$0x2] =	stream.linear.gather [hbm4b:s14+s13], $0x80, $0x38  }
0xfe: {  	_ =	swait.ge [sflag:s20], $0x80  }
0xff: {  	[sflag:s20] =	ssyncset.done $0x0  }
0x100: {  	[sflag:s20] =	ssyncadd.s32 $0xFFFFFF80  }
0x101: {  	v10 =	vld [tilespmem:$0x0];
	_ =	sdelay $0x4  }
0x102: {  	v11 =	vshll.u32 v10, $0x1  }
0x103: {  	v10 =	vand.u32 $0x7, v10;
	v11 =	vand.u32 $0xFFFFFFF0, v11  }
0x104: {  	v10 =	vor.u32 v10, v11  }
0x105: {  	v11 =	vperm.xlane v10, v1;
	_ =	sdelay $0x1  }
0x106: {  	v10 =	vperm.xlane v10, v3;
	v11 =	vadd.s32 v2, v11;
	_ =	sdelay $0x1  }
0x107: {  	v10 =	vadd.s32 v2, v10;
	_ =	sdelay $0x2  }
0x108: {  	[tilespmem:s21], [sflag:$0x1] =	stream.indirect_vreg.gather [hbm4b:s1+s13], $0x80, v11, vm0, $0xb8;
	[tilespmem:$0x14280] =	vst v63  }
0x109: {  	_ = 	snop  }
0x10a: {  	[tilespmem:s22], [sflag:$0x1] =	stream.indirect_vreg.gather [hbm4b:s1+s13], $0x80, v10, vm0, $0xb8;
	[tilespmem:$0x14280] =	vst v63  }
0x10b: {  	v10 =	vld [tilespmem:$0x10];
	_ =	sdelay $0x4  }
0x10c: {  	v11 =	vshll.u32 v10, $0x1  }
0x10d: {  	v10 =	vand.u32 $0x7, v10;
	v11 =	vand.u32 $0xFFFFFFF0, v11  }
0x10e: {  	v10 =	vor.u32 v10, v11  }
0x10f: {  	v11 =	vperm.xlane v10, v1;
	_ =	sdelay $0x1  }
0x110: {  	v10 =	vperm.xlane v10, v3;
	v11 =	vadd.s32 v2, v11;
	_ =	sdelay $0x1  }
0x111: {  	v10 =	vadd.s32 v2, v10;
	_ =	sdelay $0x2  }
0x112: {  	[tilespmem:s23], [sflag:$0x1] =	stream.indirect_vreg.gather [hbm4b:s1+s13], $0x80, v11, vm0, $0xb8;
	[tilespmem:$0x14280] =	vst v63  }
0x113: {  	_ = 	snop  }
0x114: {  	[tilespmem:s24], [sflag:$0x1] =	stream.indirect_vreg.gather [hbm4b:s1+s13], $0x80, v10, vm0, $0xb8;
	[tilespmem:$0x14280] =	vst v63  }
0x115: {  	v10 =	vld [tilespmem:$0x20];
	_ =	sdelay $0x4  }
0x116: {  	v11 =	vshll.u32 v10, $0x1  }
0x117: {  	v10 =	vand.u32 $0x7, v10;
	v11 =	vand.u32 $0xFFFFFFF0, v11  }
0x118: {  	v10 =	vor.u32 v10, v11  }
0x119: {  	v11 =	vperm.xlane v10, v1;
	_ =	sdelay $0x1  }
0x11a: {  	v10 =	vperm.xlane v10, v3;
	v11 =	vadd.s32 v2, v11;
	_ =	sdelay $0x1  }
0x11b: {  	v10 =	vadd.s32 v2, v10;
	_ =	sdelay $0x2  }
0x11c: {  	[tilespmem:s25], [sflag:$0x1] =	stream.indirect_vreg.gather [hbm4b:s1+s13], $0x80, v11, vm0, $0xb8;
	[tilespmem:$0x14280] =	vst v63  }
0x11d: {  	_ = 	snop  }
0x11e: {  	[tilespmem:s26], [sflag:$0x1] =	stream.indirect_vreg.gather [hbm4b:s1+s13], $0x80, v10, vm0, $0xb8;
	[tilespmem:$0x14280] =	vst v63  }
0x11f: {  	v10 =	vld [tilespmem:$0x30];
	_ =	sdelay $0x4  }
0x120: {  	v11 =	vshll.u32 v10, $0x1  }
0x121: {  	v10 =	vand.u32 $0x7, v10;
	v11 =	vand.u32 $0xFFFFFFF0, v11  }
0x122: {  	v10 =	vor.u32 v10, v11  }
0x123: {  	v11 =	vperm.xlane v10, v1;
	_ =	sdelay $0x1  }
0x124: {  	v10 =	vperm.xlane v10, v3;
	v11 =	vadd.s32 v2, v11;
	_ =	sdelay $0x1  }
0x125: {  	v10 =	vadd.s32 v2, v10;
	_ =	sdelay $0x2  }
0x126: {  	[tilespmem:s28], [sflag:$0x1] =	stream.indirect_vreg.gather [hbm4b:s1+s13], $0x80, v11, vm0, $0xb8;
	[tilespmem:$0x14280] =	vst v63  }
0x127: {  	_ = 	snop  }
0x128: {  	[tilespmem:s29], [sflag:$0x1] =	stream.indirect_vreg.gather [hbm4b:s1+s13], $0x80, v10, vm0, $0xb8;
	[tilespmem:$0x14280] =	vst v63  }
0x129: {  	v10 =	vld [tilespmem:$0x40];
	_ =	sdelay $0x4  }
0x12a: {  	v11 =	vshll.u32 v10, $0x1  }
0x12b: {  	v10 =	vand.u32 $0x7, v10;
	v11 =	vand.u32 $0xFFFFFFF0, v11  }
0x12c: {  	v10 =	vor.u32 v10, v11  }
0x12d: {  	v11 =	vperm.xlane v10, v1;
	_ =	sdelay $0x1  }
0x12e: {  	v10 =	vperm.xlane v10, v3;
	v11 =	vadd.s32 v2, v11;
	_ =	sdelay $0x1  }
0x12f: {  	v10 =	vadd.s32 v2, v10;
	_ =	sdelay $0x2  }
0x130: {  	[tilespmem:s30], [sflag:$0x1] =	stream.indirect_vreg.gather [hbm4b:s1+s13], $0x80, v11, vm0, $0xb8;
	[tilespmem:$0x14280] =	vst v63  }
0x131: {  	_ = 	snop  }
0x132: {  	[tilespmem:s31], [sflag:$0x1] =	stream.indirect_vreg.gather [hbm4b:s1+s13], $0x80, v10, vm0, $0xb8;
	[tilespmem:$0x14280] =	vst v63  }
0x133: {  	v10 =	vld [tilespmem:$0x50];
	_ =	sdelay $0x4  }
0x134: {  	v11 =	vshll.u32 v10, $0x1  }
0x135: {  	v10 =	vand.u32 $0x7, v10;
	v11 =	vand.u32 $0xFFFFFFF0, v11  }
0x136: {  	v10 =	vor.u32 v10, v11  }
0x137: {  	v11 =	vperm.xlane v10, v1;
	_ =	sdelay $0x1  }
0x138: {  	v10 =	vperm.xlane v10, v3;
	v11 =	vadd.s32 v2, v11;
	_ =	sdelay $0x1  }
0x139: {  	v10 =	vadd.s32 v2, v10;
	_ =	sdelay $0x2  }
0x13a: {  	[tilespmem:s0], [sflag:$0x1] =	stream.indirect_vreg.gather [hbm4b:s1+s13], $0x80, v11, vm0, $0xb8;
	[tilespmem:$0x14280] =	vst v63  }
0x13b: {  	_ = 	snop  }
0x13c: {  	[tilespmem:s2], [sflag:$0x1] =	stream.indirect_vreg.gather [hbm4b:s1+s13], $0x80, v10, vm0, $0xb8;
	[tilespmem:$0x14280] =	vst v63  }
0x13d: {  	v10 =	vld [tilespmem:$0x60];
	_ =	sdelay $0x4  }
0x13e: {  	v11 =	vshll.u32 v10, $0x1  }
0x13f: {  	v10 =	vand.u32 $0x7, v10;
	v11 =	vand.u32 $0xFFFFFFF0, v11  }
0x140: {  	v10 =	vor.u32 v10, v11  }
0x141: {  	v11 =	vperm.xlane v10, v1;
	_ =	sdelay $0x1  }
0x142: {  	v10 =	vperm.xlane v10, v3;
	v11 =	vadd.s32 v2, v11;
	_ =	sdelay $0x1  }
0x143: {  	v10 =	vadd.s32 v2, v10;
	_ =	sdelay $0x2  }
0x144: {  	[tilespmem:s5], [sflag:$0x1] =	stream.indirect_vreg.gather [hbm4b:s1+s13], $0x80, v11, vm0, $0xb8;
	[tilespmem:$0x14280] =	vst v63  }
0x145: {  	_ = 	snop  }
0x146: {  	[tilespmem:s6], [sflag:$0x1] =	stream.indirect_vreg.gather [hbm4b:s1+s13], $0x80, v10, vm0, $0xb8;
	[tilespmem:$0x14280] =	vst v63  }
0x147: {  	v10 =	vld [tilespmem:$0x70];
	_ =	sdelay $0x4  }
0x148: {  	v11 =	vshll.u32 v10, $0x1  }
0x149: {  	v10 =	vand.u32 $0x7, v10;
	v11 =	vand.u32 $0xFFFFFFF0, v11  }
0x14a: {  	v10 =	vor.u32 v10, v11  }
0x14b: {  	v11 =	vperm.xlane v10, v1;
	_ =	sdelay $0x1  }
0x14c: {  	v10 =	vperm.xlane v10, v3;
	v11 =	vadd.s32 v2, v11;
	_ =	sdelay $0x1  }
0x14d: {  	v10 =	vadd.s32 v2, v10;
	_ =	sdelay $0x2  }
0x14e: {  	[tilespmem:s7], [sflag:$0x1] =	stream.indirect_vreg.gather [hbm4b:s1+s13], $0x80, v11, vm0, $0xb8;
	[tilespmem:$0x14280] =	vst v63  }
0x14f: {  	_ = 	snop  }
0x150: {  	[tilespmem:s8], [sflag:$0x1] =	stream.indirect_vreg.gather [hbm4b:s1+s13], $0x80, v10, vm0, $0xb8;
	[tilespmem:$0x14280] =	vst v63  }
0x151: {  	_ =	swait.ge [sflag:s9], $0x8000  }
0x152: {  	[sflag:s9] =	ssyncset.done $0x0  }
0x153: {  	s15 =	rddreg [dreg:$0xc];
	[sflag:s9] =	ssyncadd.s32 $0xFFFF8000  }
0x154: {  	[tilespmem:s10], [sflag:$0x2] =	stream.linear.gather [hbm4b:s15+s13], $0x8000, $0x38;
	[tilespmem:$0x14280] =	vst v63  }
0x155: {  	_ =	swait.ge [sflag:s20], $0x8000  }
0x156: {  	[sflag:s20] =	ssyncset.done $0x0  }
0x157: {  	s17 =	simm.s32 $0x0;
	s16 =	rddreg [dreg:$0xd];
	[sflag:s20] =	ssyncadd.s32 $0xFFFF8000  }
0x158: {  	[hbm4b:s16+s13] =	stream.linear.scatter [tilespmem:s21], [sflag:$0x2], $0x8000, $0x38;
	[tilespmem:$0x14280] =	vst v63  }
0x159: {  	s18 =	simm.s32 $0x0;
	s15 =	sand.u32 $0x70, s13;
	s13 =	sand.u32 $0x400, s13  }
0x15a: {  	s14 =	sand.u32 $0x7800, s17;
	_ =	swait.ge [sflag:s20], $0x8000;
	s13 =	sor.u32 s13, s15  }
0x15b: {  	s19 =	sand.u32 $0x380, s18;
	[sflag:s20] =	ssyncset.done $0x0;
	s13 =	sor.u32 s14, s13  }
0x15c: {  	[sflag:s20] =	ssyncadd.s32 $0xFFFF8000;
	s13 =	sor.u32 s19, s13  }
0x15d: {  	v10 =	vld [tilespmem:s13+$0x80]  }
0x15e: {  	s16 =	simm.s32 $0x10;
	v11 =	vld [tilespmem:s13+$0x8080];
	s13 =	simm.s32 $0x80  }
0x15f: {  	v8 =	vmul.f32 v8, v8;
	s17 =	simm.s32 $0x10;
	v7 =	vsub.f32 v7, v9;
	s14 =	sand.u32 $0x70, s16;
	s18 =	sand.u32 $0x400, s13  }
0x160: {  	s15 =	sand.u32 $0x7800, s17;
	s19 =	simm.s32 $0x8;
	s14 =	sor.u32 s18, s14  }
0x161: {  	v6 =	vadd.f32 v8, v6;
	v7 =	vmul.f32 v7, v7;
	s16 =	sand.u32 $0x380, s19;
	s14 =	sor.u32 s15, s14  }
0x162: {  	s16 =	sor.u32 s16, s14  }
0x163: {  	v6 =	vadd.f32 v7, v6;
	s15 =	simm.s32 $0x20;
	s14 =	simm.s32 $0x2;
	v7 =	vld [tilespmem:s16+$0x80];
	v8 =	vsub.f32 v10, v11  }
.LBB2_6:
0x164: {  	s17 =	sshll.u32 s14, $0x4;
	s18 =	sshll.u32 s14, $0x3  }
0x165: {  	v9 =	vld [tilespmem:s16+$0x8080];
	s13 =	sadd.s32 $0x80, s13;
	s16 =	sand.u32 $0x70, s15;
	p0 =	sne.s32 s14, $0x7FF  }
.Ltmp2:
0x166: {  	s17 =	sand.u32 $0x7800, s17;
	s19 =	sand.u32 $0x400, s13;
	v8 =	vmul.f32 v8, v8;
	(pc) =	sbr.rel @p0 .LBB2_6-.Ltmp2, $4  }
0x167: {  	s14 =	sadd.s32 $0x1, s14;
	s16 =	sor.u32 s19, s16  }
0x168: {  	s18 =	sand.u32 $0x380, s18;
	s16 =	sor.u32 s17, s16;
	v6 =	vadd.f32 v8, v6  }
0x169: {  	s16 =	sor.u32 s18, s16  }
0x16a: {  	s15 =	sadd.s32 $0x10, s15;
	v8 =	vsub.f32 v7, v9;
	v7 =	vld [tilespmem:s16+$0x80]  }
0x16b: {  	s13 =	simm.s32 $0x0;
	s14 =	rddreg [dreg:$0xe]  }
0x16c: {  	v9 =	vld [tilespmem:s16+$0x8080];
	[tilespmem:s13], [sflag:$0x2] =	stream.linear.gather [hbm4b:s14+s13], $0x80, $0x38  }
0x16d: {  	_ =	swait.ge [sflag:s20], $0x80  }
0x16e: {  	[sflag:s20] =	ssyncset.done $0x0  }
0x16f: {  	[sflag:s20] =	ssyncadd.s32 $0xFFFFFF80  }
0x170: {  	v10 =	vld [tilespmem:$0x0];
	_ =	sdelay $0x4  }
0x171: {  	v11 =	vshll.u32 v10, $0x1  }
0x172: {  	v10 =	vand.u32 $0x7, v10;
	v11 =	vand.u32 $0xFFFFFFF0, v11  }
0x173: {  	v10 =	vor.u32 v10, v11  }
0x174: {  	v11 =	vperm.xlane v10, v1;
	_ =	sdelay $0x1  }
0x175: {  	v10 =	vperm.xlane v10, v3;
	v11 =	vadd.s32 v2, v11;
	_ =	sdelay $0x1  }
0x176: {  	v10 =	vadd.s32 v2, v10;
	_ =	sdelay $0x2  }
0x177: {  	[tilespmem:s21], [sflag:$0x1] =	stream.indirect_vreg.gather [hbm4b:s1+s13], $0x80, v11, vm0, $0xb8;
	[tilespmem:$0x14280] =	vst v63  }
0x178: {  	_ = 	snop  }
0x179: {  	[tilespmem:s22], [sflag:$0x1] =	stream.indirect_vreg.gather [hbm4b:s1+s13], $0x80, v10, vm0, $0xb8;
	[tilespmem:$0x14280] =	vst v63  }
0x17a: {  	v10 =	vld [tilespmem:$0x10];
	_ =	sdelay $0x4  }
0x17b: {  	v11 =	vshll.u32 v10, $0x1  }
0x17c: {  	v10 =	vand.u32 $0x7, v10;
	v11 =	vand.u32 $0xFFFFFFF0, v11  }
0x17d: {  	v10 =	vor.u32 v10, v11  }
0x17e: {  	v11 =	vperm.xlane v10, v1;
	_ =	sdelay $0x1  }
0x17f: {  	v10 =	vperm.xlane v10, v3;
	v11 =	vadd.s32 v2, v11;
	_ =	sdelay $0x1  }
0x180: {  	v10 =	vadd.s32 v2, v10;
	_ =	sdelay $0x2  }
0x181: {  	[tilespmem:s23], [sflag:$0x1] =	stream.indirect_vreg.gather [hbm4b:s1+s13], $0x80, v11, vm0, $0xb8;
	[tilespmem:$0x14280] =	vst v63  }
0x182: {  	_ = 	snop  }
0x183: {  	[tilespmem:s24], [sflag:$0x1] =	stream.indirect_vreg.gather [hbm4b:s1+s13], $0x80, v10, vm0, $0xb8;
	[tilespmem:$0x14280] =	vst v63  }
0x184: {  	v10 =	vld [tilespmem:$0x20];
	_ =	sdelay $0x4  }
0x185: {  	v11 =	vshll.u32 v10, $0x1  }
0x186: {  	v10 =	vand.u32 $0x7, v10;
	v11 =	vand.u32 $0xFFFFFFF0, v11  }
0x187: {  	v10 =	vor.u32 v10, v11  }
0x188: {  	v11 =	vperm.xlane v10, v1;
	_ =	sdelay $0x1  }
0x189: {  	v10 =	vperm.xlane v10, v3;
	v11 =	vadd.s32 v2, v11;
	_ =	sdelay $0x1  }
0x18a: {  	v10 =	vadd.s32 v2, v10;
	_ =	sdelay $0x2  }
0x18b: {  	[tilespmem:s25], [sflag:$0x1] =	stream.indirect_vreg.gather [hbm4b:s1+s13], $0x80, v11, vm0, $0xb8;
	[tilespmem:$0x14280] =	vst v63  }
0x18c: {  	_ = 	snop  }
0x18d: {  	[tilespmem:s26], [sflag:$0x1] =	stream.indirect_vreg.gather [hbm4b:s1+s13], $0x80, v10, vm0, $0xb8;
	[tilespmem:$0x14280] =	vst v63  }
0x18e: {  	v10 =	vld [tilespmem:$0x30];
	_ =	sdelay $0x4  }
0x18f: {  	v11 =	vshll.u32 v10, $0x1  }
0x190: {  	v10 =	vand.u32 $0x7, v10;
	v11 =	vand.u32 $0xFFFFFFF0, v11  }
0x191: {  	v10 =	vor.u32 v10, v11  }
0x192: {  	v11 =	vperm.xlane v10, v1;
	_ =	sdelay $0x1  }
0x193: {  	v10 =	vperm.xlane v10, v3;
	v11 =	vadd.s32 v2, v11;
	_ =	sdelay $0x1  }
0x194: {  	v10 =	vadd.s32 v2, v10;
	_ =	sdelay $0x2  }
0x195: {  	[tilespmem:s28], [sflag:$0x1] =	stream.indirect_vreg.gather [hbm4b:s1+s13], $0x80, v11, vm0, $0xb8;
	[tilespmem:$0x14280] =	vst v63  }
0x196: {  	_ = 	snop  }
0x197: {  	[tilespmem:s29], [sflag:$0x1] =	stream.indirect_vreg.gather [hbm4b:s1+s13], $0x80, v10, vm0, $0xb8;
	[tilespmem:$0x14280] =	vst v63  }
0x198: {  	v10 =	vld [tilespmem:$0x40];
	_ =	sdelay $0x4  }
0x199: {  	v11 =	vshll.u32 v10, $0x1  }
0x19a: {  	v10 =	vand.u32 $0x7, v10;
	v11 =	vand.u32 $0xFFFFFFF0, v11  }
0x19b: {  	v10 =	vor.u32 v10, v11  }
0x19c: {  	v11 =	vperm.xlane v10, v1;
	_ =	sdelay $0x1  }
0x19d: {  	v10 =	vperm.xlane v10, v3;
	v11 =	vadd.s32 v2, v11;
	_ =	sdelay $0x1  }
0x19e: {  	v10 =	vadd.s32 v2, v10;
	_ =	sdelay $0x2  }
0x19f: {  	[tilespmem:s30], [sflag:$0x1] =	stream.indirect_vreg.gather [hbm4b:s1+s13], $0x80, v11, vm0, $0xb8;
	[tilespmem:$0x14280] =	vst v63  }
0x1a0: {  	_ = 	snop  }
0x1a1: {  	[tilespmem:s31], [sflag:$0x1] =	stream.indirect_vreg.gather [hbm4b:s1+s13], $0x80, v10, vm0, $0xb8;
	[tilespmem:$0x14280] =	vst v63  }
0x1a2: {  	v10 =	vld [tilespmem:$0x50];
	_ =	sdelay $0x4  }
0x1a3: {  	v11 =	vshll.u32 v10, $0x1  }
0x1a4: {  	v10 =	vand.u32 $0x7, v10;
	v11 =	vand.u32 $0xFFFFFFF0, v11  }
0x1a5: {  	v10 =	vor.u32 v10, v11  }
0x1a6: {  	v11 =	vperm.xlane v10, v1;
	_ =	sdelay $0x1  }
0x1a7: {  	v10 =	vperm.xlane v10, v3;
	v11 =	vadd.s32 v2, v11;
	_ =	sdelay $0x1  }
0x1a8: {  	v10 =	vadd.s32 v2, v10;
	_ =	sdelay $0x2  }
0x1a9: {  	[tilespmem:s0], [sflag:$0x1] =	stream.indirect_vreg.gather [hbm4b:s1+s13], $0x80, v11, vm0, $0xb8;
	[tilespmem:$0x14280] =	vst v63  }
0x1aa: {  	_ = 	snop  }
0x1ab: {  	[tilespmem:s2], [sflag:$0x1] =	stream.indirect_vreg.gather [hbm4b:s1+s13], $0x80, v10, vm0, $0xb8;
	[tilespmem:$0x14280] =	vst v63  }
0x1ac: {  	v10 =	vld [tilespmem:$0x60];
	_ =	sdelay $0x4  }
0x1ad: {  	v11 =	vshll.u32 v10, $0x1  }
0x1ae: {  	v10 =	vand.u32 $0x7, v10;
	v11 =	vand.u32 $0xFFFFFFF0, v11  }
0x1af: {  	v10 =	vor.u32 v10, v11  }
0x1b0: {  	v11 =	vperm.xlane v10, v1;
	_ =	sdelay $0x1  }
0x1b1: {  	v10 =	vperm.xlane v10, v3;
	v11 =	vadd.s32 v2, v11;
	_ =	sdelay $0x1  }
0x1b2: {  	v10 =	vadd.s32 v2, v10;
	_ =	sdelay $0x2  }
0x1b3: {  	[tilespmem:s5], [sflag:$0x1] =	stream.indirect_vreg.gather [hbm4b:s1+s13], $0x80, v11, vm0, $0xb8;
	[tilespmem:$0x14280] =	vst v63  }
0x1b4: {  	_ = 	snop  }
0x1b5: {  	[tilespmem:s6], [sflag:$0x1] =	stream.indirect_vreg.gather [hbm4b:s1+s13], $0x80, v10, vm0, $0xb8;
	[tilespmem:$0x14280] =	vst v63  }
0x1b6: {  	v10 =	vld [tilespmem:$0x70];
	_ =	sdelay $0x4  }
0x1b7: {  	v11 =	vshll.u32 v10, $0x1  }
0x1b8: {  	v10 =	vand.u32 $0x7, v10;
	v11 =	vand.u32 $0xFFFFFFF0, v11  }
0x1b9: {  	v10 =	vor.u32 v10, v11  }
0x1ba: {  	v11 =	vperm.xlane v10, v1;
	_ =	sdelay $0x1  }
0x1bb: {  	v10 =	vperm.xlane v10, v3;
	v11 =	vadd.s32 v2, v11;
	_ =	sdelay $0x1  }
0x1bc: {  	v10 =	vadd.s32 v2, v10;
	_ =	sdelay $0x2  }
0x1bd: {  	[tilespmem:s7], [sflag:$0x1] =	stream.indirect_vreg.gather [hbm4b:s1+s13], $0x80, v11, vm0, $0xb8;
	[tilespmem:$0x14280] =	vst v63  }
0x1be: {  	_ = 	snop  }
0x1bf: {  	[tilespmem:s8], [sflag:$0x1] =	stream.indirect_vreg.gather [hbm4b:s1+s13], $0x80, v10, vm0, $0xb8;
	[tilespmem:$0x14280] =	vst v63  }
0x1c0: {  	_ =	swait.ge [sflag:s9], $0x8000  }
0x1c1: {  	[sflag:s9] =	ssyncset.done $0x0  }
0x1c2: {  	s15 =	rddreg [dreg:$0xf];
	[sflag:s9] =	ssyncadd.s32 $0xFFFF8000  }
0x1c3: {  	[tilespmem:s10], [sflag:$0x2] =	stream.linear.gather [hbm4b:s15+s13], $0x8000, $0x38;
	[tilespmem:$0x14280] =	vst v63  }
0x1c4: {  	_ =	swait.ge [sflag:s20], $0x8000  }
0x1c5: {  	[sflag:s20] =	ssyncset.done $0x0  }
0x1c6: {  	s17 =	simm.s32 $0x0;
	s16 =	rddreg [dreg:$0x10];
	[sflag:s20] =	ssyncadd.s32 $0xFFFF8000  }
0x1c7: {  	[hbm4b:s16+s13] =	stream.linear.scatter [tilespmem:s21], [sflag:$0x2], $0x8000, $0x38;
	[tilespmem:$0x14280] =	vst v63  }
0x1c8: {  	s18 =	simm.s32 $0x0;
	s15 =	sand.u32 $0x70, s13;
	s13 =	sand.u32 $0x400, s13  }
0x1c9: {  	s14 =	sand.u32 $0x7800, s17;
	_ =	swait.ge [sflag:s20], $0x8000;
	s13 =	sor.u32 s13, s15  }
0x1ca: {  	s19 =	sand.u32 $0x380, s18;
	[sflag:s20] =	ssyncset.done $0x0;
	s13 =	sor.u32 s14, s13  }
0x1cb: {  	[sflag:s20] =	ssyncadd.s32 $0xFFFF8000;
	s13 =	sor.u32 s19, s13  }
0x1cc: {  	v10 =	vld [tilespmem:s13+$0x80]  }
0x1cd: {  	s16 =	simm.s32 $0x10;
	v11 =	vld [tilespmem:s13+$0x8080];
	s13 =	simm.s32 $0x80  }
0x1ce: {  	v8 =	vmul.f32 v8, v8;
	s17 =	simm.s32 $0x10;
	v7 =	vsub.f32 v7, v9;
	s14 =	sand.u32 $0x70, s16;
	s18 =	sand.u32 $0x400, s13  }
0x1cf: {  	s15 =	sand.u32 $0x7800, s17;
	s19 =	simm.s32 $0x8;
	s14 =	sor.u32 s18, s14  }
0x1d0: {  	v6 =	vadd.f32 v8, v6;
	v7 =	vmul.f32 v7, v7;
	s16 =	sand.u32 $0x380, s19;
	s14 =	sor.u32 s15, s14  }
0x1d1: {  	s16 =	sor.u32 s16, s14  }
0x1d2: {  	v6 =	vadd.f32 v7, v6;
	s15 =	simm.s32 $0x20;
	s14 =	simm.s32 $0x2;
	v7 =	vld [tilespmem:s16+$0x80];
	v8 =	vsub.f32 v10, v11  }
.LBB2_8:
0x1d3: {  	s17 =	sshll.u32 s14, $0x4;
	s18 =	sshll.u32 s14, $0x3  }
0x1d4: {  	v9 =	vld [tilespmem:s16+$0x8080];
	s13 =	sadd.s32 $0x80, s13;
	s16 =	sand.u32 $0x70, s15;
	p0 =	sne.s32 s14, $0x7FF  }
.Ltmp3:
0x1d5: {  	s17 =	sand.u32 $0x7800, s17;
	s19 =	sand.u32 $0x400, s13;
	v8 =	vmul.f32 v8, v8;
	(pc) =	sbr.rel @p0 .LBB2_8-.Ltmp3, $4  }
0x1d6: {  	s14 =	sadd.s32 $0x1, s14;
	s16 =	sor.u32 s19, s16  }
0x1d7: {  	s18 =	sand.u32 $0x380, s18;
	s16 =	sor.u32 s17, s16;
	v6 =	vadd.f32 v8, v6  }
0x1d8: {  	s16 =	sor.u32 s18, s16  }
0x1d9: {  	s15 =	sadd.s32 $0x10, s15;
	v8 =	vsub.f32 v7, v9;
	v7 =	vld [tilespmem:s16+$0x80]  }
0x1da: {  	v9 =	vld [tilespmem:s16+$0x8080];
	_ =	sdelay $0x4  }
0x1db: {  	v8 =	vmul.f32 v8, v8;
	v7 =	vsub.f32 v7, v9;
	_ =	sdelay $0x1  }
0x1dc: {  	v6 =	vadd.f32 v8, v6;
	v7 =	vmul.f32 v7, v7;
	_ =	sdelay $0x1  }
0x1dd: {  	v6 =	vadd.f32 v7, v6;
	_ =	sdelay $0x1  }
0x1de: {  	s13 =	simm.s32 $0x0;
	s14 =	rddreg [dreg:$0x11];
	s15 =	simm.s32 $0x14180;
	[tilespmem:$0x14180] =	vst v6  }
0x1df: {  	[hbm4b:s14+s13] =	stream.linear.scatter [tilespmem:s15], [sflag:$0x2], $0x80, $0x38;
	[tilespmem:$0x14280] =	vst v63  }
0x1e0: {  	_ =	swait.ge [sflag:s20], $0x80  }
0x1e1: {  	[sflag:s20] =	ssyncset.done $0x0  }
0x1e2: {  	s19 =	simm.s32 $0x10180;
	[sflag:s20] =	ssyncadd.s32 $0xFFFFFF80  }
0x1e3: {  	[tilespmem:s19], [sflag:$0x2] =	stream.linear.gather [hbm4b:s4+s13], $0x4000, $0x38;
	[tilespmem:$0x14280] =	vst v63  }
0x1e4: {  	_ =	swait.ge [sflag:s20], $0x4000  }
0x1e5: {  	[sflag:s20] =	ssyncset.done $0x0  }
0x1e6: {  	[sflag:s20] =	ssyncadd.s32 $0xFFFFC000  }
0x1e7: {  	[tilespmem:$0x10080] =	vst v4  }
0x1e8: {  	[tilespmem:$0x10090] =	vst v4  }
0x1e9: {  	[tilespmem:$0x100A0] =	vst v4  }
0x1ea: {  	[tilespmem:$0x100B0] =	vst v4  }
0x1eb: {  	[tilespmem:$0x100C0] =	vst v4  }
0x1ec: {  	[tilespmem:$0x100D0] =	vst v4  }
0x1ed: {  	[tilespmem:$0x100E0] =	vst v4  }
0x1ee: {  	[tilespmem:$0x100F0] =	vst v4  }
0x1ef: {  	[tilespmem:$0x10100] =	vst v4  }
0x1f0: {  	[tilespmem:$0x10110] =	vst v4  }
0x1f1: {  	[tilespmem:$0x10120] =	vst v4  }
0x1f2: {  	[tilespmem:$0x10130] =	vst v4  }
0x1f3: {  	[tilespmem:$0x10140] =	vst v4  }
0x1f4: {  	[tilespmem:$0x10150] =	vst v4  }
0x1f5: {  	[tilespmem:$0x10160] =	vst v4  }
0x1f6: {  	s14 =	simm.s32 $0x0;
	s13 =	simm.s32 $0x40;
	[tilespmem:$0x10170] =	vst v4  }
.LBB2_10:
0x1f7: {  	p0 =	sne.s32 s13, $0xFFC0;
	v6 =	vld [tilespmem:s14+$0x10180];
	_ =	sdelay $0x4  }
0x1f8: {  	v6 =	vsub.s32 v6, v0  }
0x1f9: {  	vm1 =	vgt.s32 v6, $0x0  }
0x1fa: {  	vm2 =	vlt.u32 v6, $0x100;
	v6 =	vnsel vm1, $0x0, v6  }
0x1fb: {  	v6 =	vmin.u32 v6, $0xFF  }
.Ltmp4:
0x1fc: {  	(pc) =	sbr.rel @p0 .LBB2_10-.Ltmp4, $2  }
0x1fd: {  	_ =	sdelay $0x2  }
0x1fe: {  	s14 =	sshra.s32 s13, $0x2;
	s13 =	sadd.s32 $0x40, s13;
	[tilespmem:v6+s11+$0x0] =	vst.idx.msk vm2, v5  }
0x1ff: {  	v6 =	vld [tilespmem:s14+$0x10180];
	_ =	sdelay $0x4  }
0x200: {  	v6 =	vsub.s32 v6, v0  }
0x201: {  	vm1 =	vgt.s32 v6, $0x0  }
0x202: {  	vm2 =	vlt.u32 v6, $0x100;
	v6 =	vnsel vm1, $0x0, v6  }
0x203: {  	v6 =	vmin.u32 v6, $0xFF;
	_ =	sdelay $0x4  }
0x204: {  	[tilespmem:v6+s11+$0x0] =	vst.idx.msk vm2, v5  }
0x205: {  	v6 =	vld [tilespmem:$0x10080]  }
0x206: {  	v7 =	vld [tilespmem:$0x10090]  }
0x207: {  	v8 =	vld [tilespmem:$0x100A0]  }
0x208: {  	v9 =	vld [tilespmem:$0x100B0]  }
0x209: {  	v10 =	vld [tilespmem:$0x100C0]  }
0x20a: {  	v11 =	vld [tilespmem:$0x100D0]  }
0x20b: {  	v6 =	vadd.s32 v6, v7;
	v7 =	vld [tilespmem:$0x100E0]  }
0x20c: {  	v56 =	vld [tilespmem:$0x100F0];
	v6 =	vadd.s32 v6, v8  }
0x20d: {  	v57 =	vld [tilespmem:$0x10100];
	v6 =	vadd.s32 v6, v9  }
0x20e: {  	v58 =	vld [tilespmem:$0x10110];
	v6 =	vadd.s32 v6, v10  }
0x20f: {  	v59 =	vld [tilespmem:$0x10120];
	v6 =	vadd.s32 v6, v11  }
0x210: {  	v6 =	vadd.s32 v6, v7;
	v7 =	vld [tilespmem:$0x10130]  }
0x211: {  	v60 =	vld [tilespmem:$0x10140];
	v6 =	vadd.s32 v6, v56  }
0x212: {  	v61 =	vld [tilespmem:$0x10150];
	v6 =	vadd.s32 v6, v57  }
0x213: {  	v62 =	vld [tilespmem:$0x10160];
	v6 =	vadd.s32 v6, v58  }
0x214: {  	v63 =	vld [tilespmem:$0x10170];
	v6 =	vadd.s32 v6, v59  }
0x215: {  	v6 =	vadd.s32 v6, v7  }
0x216: {  	v6 =	vadd.s32 v6, v60  }
0x217: {  	v6 =	vadd.s32 v6, v61  }
0x218: {  	v6 =	vadd.s32 v6, v62  }
0x219: {  	v6 =	vadd.s32 v6, v63  }
0x21a: {  	s13 =	rddreg [dreg:$0x12];
	s18 =	simm.s32 $0x14200;
	[tilespmem:$0x14200] =	vst v6  }
0x21b: {  	[hbm4b:s13+s3] =	stream.linear.scatter [tilespmem:s18], [sflag:$0x2], $0x80, $0x38;
	[tilespmem:$0x14280] =	vst v63  }
0x21c: {  	_ =	swait.ge [sflag:s20], $0x80  }
0x21d: {  	s12 =	sadd.s32 $0x1, s12;
	s19 =	rddreg [dreg:$0x13]  }
0x21e: {  	p0 =	sne.s32 s12, s19  }
.Ltmp5:
0x21f: {  	_ = 	snop;
	(pc) =	sbr.rel @p0 .LBB2_1-.Ltmp5, $3  }
0x220: {  	_ =	sdelay $0x1  }
0x221: {  	[sflag:s20] =	ssyncset.done $0x0  }
0x222: {  	[sflag:s20] =	ssyncadd.s32 $0xFFFFFF80  }
0x223: {  	_ =	sfence.sel $0x180000  }
0x224: {  	[bflag:$0x0] =	sbarrier.arrive $0xFFFF  }
0x225: {  	_ =	strace $0x90000047  }
0x226: {  	s0 =	stileid.u32;
	[bflag:$0x2] =	sbarrier.arrive $0xFFFF  }
0x227: {  	p0 =	sne.s32 s0, $0x0;
	s0 =	rddreg [dreg:$0x4]  }
0x228: {  	s0 =	sadd.s32 @!p0 $0x100000, s0  }
0x229: {  	[sflag:s0] =	ssyncadd.tile.s32 @!p0 $0x1;
	_ =	shalt  }
.Lfunc_end2:
_tile_overlayer_lowered:
.L_overlay_start_2:
0x22a: {  	(tag) =	ssettag $0x2  }
0x22b: {  	s0 =	rddreg [dreg:$0x0];
	s2 =	stileid.u32  }
0x22c: {  	s1 =	rddreg [dreg:$0x1];
	p0 =	sne.s32 s2, $0x0  }
0x22d: {  	s3 =	rddreg [dreg:$0x2];
	[bflag:$0x3] =	sbarrier.arrive $0xFFFF;
	s2 =	simm.s32 @!p0 $0x1C02  }
0x22e: {  	[timem:s3], [sflag:s2] =	dma.local @!p0 [hbm:s0], s1  }
0x22f: {  	s0 =	simm.s32 @!p0 $0x2  }
0x230: {  	_ =	swait.ge @!p0 [sflag:s0], s1  }
0x231: {  	s1 =	ssub.s32 @!p0 $0x0, s1;
	[sflag:s0] =	ssyncset.done @!p0 $0x0  }
0x232: {  	[sflag:s0] =	ssyncadd.s32 @!p0 s1  }
0x233: {  	[bflag:$0x3] =	sbarrier.arrive $0xFFFF  }
0x234: {  	_ =	shalt  }

</sc_bundles>
